<compile_context>
chip_gen: v7x
topology: tpu7x:2x2x1
jax: 0.10.2.dev20260603
libtpu: 0.0.44.dev20260713+nightly
codegen_flags: <defaults>
</compile_context>

<pallas_src>
import functools

import jax
import jax.numpy as jnp
from jax import lax
from jax.experimental import pallas as pl
from jax.experimental.pallas import tpu as pltpu
from jax.experimental.pallas import tpu_sc as plsc

B, N, D = 16, 4096, 128
S, K = 256, 32
WC, OUT_C = 64, 64
NR, NL = 32, 128
P = B * S * K


def _fps_body(x_ref, y_ref, z_ref, nx_ref, ny_ref, nz_ref):
    X = x_ref[...]
    Y = y_ref[...]
    Z = z_ref[...]
    flat = (lax.broadcasted_iota(jnp.int32, (1, NR, NL), 1) * NL
            + lax.broadcasted_iota(jnp.int32, (1, NR, NL), 2))
    out_flat = (lax.broadcasted_iota(jnp.int32, (1, 2, NL), 1) * NL
                + lax.broadcasted_iota(jnp.int32, (1, 2, NL), 2))

    def step(i, carry):
        dist, far, ax, ay, az = carry
        m = flat == far
        cx = jnp.sum(jnp.where(m, X, 0.0), axis=(1, 2), keepdims=True)
        cy = jnp.sum(jnp.where(m, Y, 0.0), axis=(1, 2), keepdims=True)
        cz = jnp.sum(jnp.where(m, Z, 0.0), axis=(1, 2), keepdims=True)
        dd = (X - cx) * (X - cx) + (Y - cy) * (Y - cy) + (Z - cz) * (Z - cz)
        dist = jnp.minimum(dist, dd)
        mx = jnp.max(dist, axis=(1, 2), keepdims=True)
        far_n = jnp.min(jnp.where(dist == mx, flat, jnp.int32(N)),
                        axis=(1, 2), keepdims=True)
        sel = out_flat == i
        ax = jnp.where(sel, cx, ax)
        ay = jnp.where(sel, cy, ay)
        az = jnp.where(sel, cz, az)
        return dist, far_n, ax, ay, az

    init = (jnp.full((B, NR, NL), 1e10, jnp.float32),
            jnp.zeros((B, 1, 1), jnp.int32),
            jnp.zeros((B, 2, NL), jnp.float32),
            jnp.zeros((B, 2, NL), jnp.float32),
            jnp.zeros((B, 2, NL), jnp.float32))
    _, _, ax, ay, az = lax.fori_loop(0, S, step, init, unroll=4)
    nx_ref[...] = ax
    ny_ref[...] = ay
    nz_ref[...] = az


def _run_fps(xp, yp, zp):
    return pl.pallas_call(
        _fps_body,
        out_shape=[jax.ShapeDtypeStruct((B, 2, NL), jnp.float32)] * 3,
    )(xp, yp, zp)


def _knn_body(newp_ref, xyzt_ref, idx_ref):
    new_p = newp_ref[0]
    xyzt = xyzt_ref[0]
    pid = pl.program_id(0)
    n2 = jnp.sum(new_p * new_p, axis=1, keepdims=True)
    x2 = jnp.sum(xyzt * xyzt, axis=0, keepdims=True)
    d = n2 + x2 - 2.0 * jnp.dot(new_p, xyzt,
                                preferred_element_type=jnp.float32)
    iota = lax.broadcasted_iota(jnp.int32, (S, N), 1)
    base = pid * N
    for i in range(K):
        m = jnp.min(d, axis=1, keepdims=True)
        c = jnp.min(jnp.where(d == m, iota, jnp.int32(1 << 30)),
                    axis=1, keepdims=True)
        idx_ref[0, :, i:i + 1] = c + base
        d = jnp.where(iota == c, jnp.float32(3e38), d)


def _run_knn(new_pad, xyzt_pad):
    return pl.pallas_call(
        _knn_body,
        grid=(B,),
        in_specs=[
            pl.BlockSpec((1, S, 8), lambda b: (b, 0, 0)),
            pl.BlockSpec((1, 8, N), lambda b: (b, 0, 0)),
        ],
        out_specs=pl.BlockSpec((1, S, K), lambda b: (b, 0, 0)),
        out_shape=jax.ShapeDtypeStruct((B, S, K), jnp.int32),
    )(new_pad, xyzt_pad)


_NW = 32
_RPW = P // _NW
_CH = 128
_NCH = _RPW // _CH


def _sc_gather(feat_flat, pre_flat, idx3):
    info = plsc.get_sparse_core_info()
    nc = info.num_cores

    @functools.partial(
        pl.kernel,
        mesh=plsc.VectorSubcoreMesh(core_axis_name="c", subcore_axis_name="s"),
        out_type=[jax.ShapeDtypeStruct((P, D), jnp.float32),
                  jax.ShapeDtypeStruct((P, 128), jnp.float32)],
        scratch_types=[pltpu.VMEM((_NCH, _CH), jnp.int32),
                       pltpu.VMEM((_CH, D), jnp.float32),
                       pltpu.VMEM((_CH, 128), jnp.float32),
                       pltpu.SemaphoreType.DMA,
                       pltpu.SemaphoreType.DMA],
    )
    def gk(feat_hbm, pre_hbm, idx_hbm, outf_hbm, outp_hbm,
           idx_v, fr_v, pr_v, sem_f, sem_p):
        wid = lax.axis_index("s") * nc + lax.axis_index("c")
        pltpu.sync_copy(idx_hbm.at[wid], idx_v)

        def body(c, carry):
            cp_f = pltpu.async_copy(feat_hbm.at[idx_v.at[c]], fr_v, sem_f)
            cp_p = pltpu.async_copy(pre_hbm.at[idx_v.at[c]], pr_v, sem_p)
            cp_f.wait()
            cp_p.wait()
            base = wid * _RPW + c * _CH
            pltpu.sync_copy(fr_v, outf_hbm.at[pl.ds(base, _CH)])
            pltpu.sync_copy(pr_v, outp_hbm.at[pl.ds(base, _CH)])
            return carry

        lax.fori_loop(0, _NCH, body, 0)

    return gk(feat_flat, pre_flat, idx3)


_SB = 2
_SC = S // _SB


def _conv_body(gx_ref, newp_ref, gf_ref, w1_ref, w2_ref, w3_ref,
               g1_ref, b1_ref, g2_ref, b2_ref, g3_ref, b3_ref,
               nf_ref, wts_ref):
    bf = jnp.bfloat16
    gx3 = gx_ref[0].reshape(_SC, K, 128)
    rel = (gx3 - newp_ref[0][:, None, :]).reshape(_SC * K, 128)
    h = jnp.dot(rel.astype(bf), w1_ref[...].astype(bf),
                preferred_element_type=jnp.float32)
    h = jnp.maximum(h * g1_ref[...] + b1_ref[...], 0.0)
    h = jnp.dot(h.astype(bf), w2_ref[...].astype(bf),
                preferred_element_type=jnp.float32)
    h = jnp.maximum(h * g2_ref[...] + b2_ref[...], 0.0)
    h = jnp.dot(h.astype(bf), w3_ref[...].astype(bf),
                preferred_element_type=jnp.float32)
    wts_ref[...] = jnp.maximum(h * g3_ref[...] + b3_ref[...], 0.0)

    def body(s, carry):
        fb = gf_ref[0, pl.ds(s * K, K), :].astype(bf)
        wb = wts_ref[pl.ds(s * K, K), :].astype(bf)
        nf = lax.dot_general(fb, wb, (((0,), (0,)), ((), ())),
                             preferred_element_type=jnp.float32)
        nf_ref[0, pl.ds(s * D, D), :] = nf
        return carry

    lax.fori_loop(0, _SC, body, 0, unroll=16)


def _run_conv(gx, newp, gf, w1p, w2t, w3t, g1, b1, g2, b2, g3, b3):
    full = lambda r, c: pl.BlockSpec((r, c), lambda b, j: (0, 0))
    return pl.pallas_call(
        _conv_body,
        grid=(B, _SB),
        in_specs=[
            pl.BlockSpec((1, _SC * K, 128), lambda b, j: (b, j, 0)),
            pl.BlockSpec((1, _SC, 128), lambda b, j: (b, j, 0)),
            pl.BlockSpec((1, _SC * K, D), lambda b, j: (b, j, 0)),
            full(128, WC), full(WC, WC), full(WC, WC),
            full(1, WC), full(1, WC), full(1, WC),
            full(1, WC), full(1, WC), full(1, WC),
        ],
        out_specs=pl.BlockSpec((1, _SC * D, WC), lambda b, j: (b, j, 0)),
        out_shape=jax.ShapeDtypeStruct((B, S * D, WC), jnp.float32),
        scratch_shapes=[pltpu.VMEM((_SC * K, WC), jnp.float32)],
    )(gx, newp, gf, w1p, w2t, w3t, g1, b1, g2, b2, g3, b3)


def _final_body(nf_ref, fw_ref, fg_ref, fb_ref, out_ref):
    o = jnp.dot(nf_ref[0].astype(jnp.bfloat16),
                fw_ref[...].astype(jnp.bfloat16),
                preferred_element_type=jnp.float32)
    out_ref[0] = jnp.maximum(o * fg_ref[...] + fb_ref[...], 0.0)


def _run_final(nfr, fwt, fg, fb):
    return pl.pallas_call(
        _final_body,
        grid=(B,),
        in_specs=[
            pl.BlockSpec((1, S, D * WC), lambda b: (b, 0, 0)),
            pl.BlockSpec((D * WC, OUT_C), lambda b: (0, 0)),
            pl.BlockSpec((1, OUT_C), lambda b: (0, 0)),
            pl.BlockSpec((1, OUT_C), lambda b: (0, 0)),
        ],
        out_specs=pl.BlockSpec((1, S, OUT_C), lambda b: (b, 0, 0)),
        out_shape=jax.ShapeDtypeStruct((B, S, OUT_C), jnp.float32),
    )(nfr, fwt, fg, fb)


def kernel(xyz, feature, wn_w1, wn_g1, wn_b1, wn_w2, wn_g2, wn_b2,
           wn_w3, wn_g3, wn_b3, final_w, final_g, final_b):
    xt = jnp.transpose(xyz, (2, 0, 1)).reshape(3, B, NR, NL)
    nx, ny, nz = _run_fps(xt[0], xt[1], xt[2])

    new_xyz = jnp.stack(
        [nx.reshape(B, S), ny.reshape(B, S), nz.reshape(B, S)], axis=-1)
    new_pad = jnp.pad(new_xyz, ((0, 0), (0, 0), (0, 5)))
    xyzt_pad = jnp.pad(jnp.transpose(xyz, (0, 2, 1)),
                       ((0, 0), (0, 5), (0, 0)))
    idx = _run_knn(new_pad, xyzt_pad)

    feat_flat = jnp.transpose(feature, (0, 2, 1)).reshape(B * N, D)
    xyzp_flat = jnp.pad(xyz, ((0, 0), (0, 0), (0, 125))).reshape(B * N, 128)
    idx3 = idx.reshape(_NW, _NCH, _CH)
    gfeat, gxyz = _sc_gather(feat_flat, xyzp_flat, idx3)

    gx = gxyz.reshape(B, S * K, 128)
    gf = gfeat.reshape(B, S * K, D)
    newp128 = jnp.pad(new_xyz, ((0, 0), (0, 0), (0, 125)))
    w1p = jnp.pad(wn_w1, ((0, 0), (0, 125))).T

    nfbig = _run_conv(gx, newp128, gf, w1p, wn_w2.T, wn_w3.T,
                      wn_g1[None, :], wn_b1[None, :],
                      wn_g2[None, :], wn_b2[None, :],
                      wn_g3[None, :], wn_b3[None, :])

    nfr = nfbig.reshape(B, S, D * WC)
    out_so = _run_final(nfr, final_w.T,
                        final_g[None, :], final_b[None, :])
    out = jnp.transpose(out_so, (0, 2, 1))
    return new_xyz, out

# --- scband reference (transcript-rebuilt; emitter-appended) ---
"""Pipeline reference for scband-point-conv-14078902796568 (READ-ONLY COPY).

The authoritative reference and input builder live on the scoring server;
editing this copy changes nothing except your own understanding.
"""

import jax, jax.numpy as jnp
import numpy as np

B, N, D = 16, 4096, 128
NPOINTS, NSAMPLE, WC, OUT_C = 256, 32, 64, 64


def _fps(xyz, npoints):
    Bn, Nn, _ = xyz.shape
    def step(state, _):
        dist, far = state
        centroid = jnp.take_along_axis(xyz, far[:, None, None], axis=1)
        d = jnp.sum((xyz - centroid) ** 2, axis=-1)
        dist = jnp.minimum(dist, d)
        nxt = jnp.argmax(dist, axis=-1).astype(jnp.int32)
        return (dist, nxt), far
    init = (jnp.full((Bn, Nn), 1e10, jnp.float32), jnp.zeros((Bn,), jnp.int32))
    _, idxs = jax.lax.scan(step, init, None, length=npoints)
    return jnp.transpose(idxs, (1, 0))


def _gather(x_trans, idx):
    Bn, C, _ = x_trans.shape
    S = idx.shape[1]
    return jnp.take_along_axis(x_trans, jnp.broadcast_to(idx[:, None, :], (Bn, C, S)), axis=2)


def _knn(new_xyz, xyz, k):
    d = (jnp.sum(new_xyz ** 2, -1)[:, :, None] + jnp.sum(xyz ** 2, -1)[:, None, :]
         - 2.0 * jnp.einsum('bsc,bnc->bsn', new_xyz, xyz))
    _, idx = jax.lax.top_k(-d, k)
    return idx


def _group(x_trans, idx):
    return jax.vmap(lambda x, i: x[:, i])(x_trans, idx)


def _bn(x, g, b):
    shape = (1, -1) + (1,) * (x.ndim - 2)
    return x * g.reshape(shape) + b.reshape(shape)


def _forward(xyz, feature, wn_w1, wn_g1, wn_b1, wn_w2, wn_g2, wn_b2, wn_w3, wn_g3, wn_b3, final_w, final_g, final_b):
    Bn = xyz.shape[0]
    xyz_trans = jnp.transpose(xyz, (0, 2, 1))
    fps_idx = _fps(xyz, NPOINTS)
    new_xyz_trans = _gather(xyz_trans, fps_idx)
    new_xyz = jnp.transpose(new_xyz_trans, (0, 2, 1))
    idx = _knn(new_xyz, xyz, NSAMPLE)
    grouped_xyz_trans = _group(xyz_trans, idx) - new_xyz_trans[:, :, :, None]
    grouped_feature = _group(feature, idx)
    h = jax.nn.relu(_bn(jnp.einsum('oc,bcsk->bosk', wn_w1, grouped_xyz_trans), wn_g1, wn_b1))
    h = jax.nn.relu(_bn(jnp.einsum('oc,bcsk->bosk', wn_w2, h), wn_g2, wn_b2))
    weights = jax.nn.relu(_bn(jnp.einsum('oc,bcsk->bosk', wn_w3, h), wn_g3, wn_b3))
    new_feature = jnp.matmul(jnp.transpose(grouped_feature, (0, 2, 1, 3)), jnp.transpose(weights, (0, 2, 3, 1)))
    new_feature = jnp.transpose(new_feature.reshape(Bn, NPOINTS, -1), (0, 2, 1))
    out = jax.nn.relu(_bn(jnp.einsum('oi,bis->bos', final_w, new_feature), final_g, final_b))
    return new_xyz, out


def setup_inputs(seed: int = 0):
    key = jax.random.key(seed)
    ks = jax.random.split(key, 8)
    xyz = jax.random.uniform(ks[0], (B, N, 3), dtype=jnp.float32)
    feature = jax.random.normal(ks[1], (B, D, N), dtype=jnp.float32)
    def _w(k, o, i):
        return jax.random.normal(k, (o, i), dtype=jnp.float32) * (1.0 / np.sqrt(i))
    return {
        'xyz': xyz, 'feature': feature,
        'wn_w1': _w(ks[2], WC, 3), 'wn_g1': jnp.ones((WC,), jnp.float32), 'wn_b1': jnp.zeros((WC,), jnp.float32),
        'wn_w2': _w(ks[3], WC, WC), 'wn_g2': jnp.ones((WC,), jnp.float32), 'wn_b2': jnp.zeros((WC,), jnp.float32),
        'wn_w3': _w(ks[4], WC, WC), 'wn_g3': jnp.ones((WC,), jnp.float32), 'wn_b3': jnp.zeros((WC,), jnp.float32),
        'final_w': _w(ks[5], OUT_C, D * WC), 'final_g': jnp.ones((OUT_C,), jnp.float32), 'final_b': jnp.zeros((OUT_C,), jnp.float32),
    }


def reference(xyz, feature, wn_w1, wn_g1, wn_b1, wn_w2, wn_g2, wn_b2, wn_w3, wn_g3, wn_b3, final_w, final_g, final_b):
    return _forward(xyz, feature, wn_w1, wn_g1, wn_b1, wn_w2, wn_g2, wn_b2, wn_w3, wn_g3, wn_b3, final_w, final_g, final_b)

if __name__ == "__main__":
    import jax
    _d = setup_inputs()
    print(jax.jit(kernel)(*tuple(_d.values())))

</pallas_src>

<mosaic_0001>
#map = affine_map<(d0, d1) -> (0, 0)>
#map1 = affine_map<(d0, d1) -> (0, 0, 0)>
module attributes {stable_mosaic.version = 14 : i64} {
  func.func @gk(%arg0: i32, %arg1: i32, %arg2: memref<65536x128xf32, #tpu.memory_space<hbm>>, %arg3: memref<65536x128xf32, #tpu.memory_space<hbm>>, %arg4: memref<32x32x128xi32, #tpu.memory_space<hbm>>, %arg5: memref<131072x128xf32, #tpu.memory_space<hbm>>, %arg6: memref<131072x128xf32, #tpu.memory_space<hbm>>, %arg7: memref<32x128xi32, #tpu.memory_space<vmem>>, %arg8: memref<128x128xf32, #tpu.memory_space<vmem>>, %arg9: memref<128x128xf32, #tpu.memory_space<vmem>>, %arg10: memref<!tpu.dma_semaphore, #tpu.memory_space<semaphore_mem>>, %arg11: memref<!tpu.dma_semaphore, #tpu.memory_space<semaphore_mem>>) attributes {dimension_semantics = [#tpu.dimension_semantics<core_parallel>, #tpu.dimension_semantics<subcore_parallel>], iteration_bounds = array<i64: 2, 16>, scalar_prefetch = 0 : i64, scratch_operands = 5 : i64, tpu.core_type = #tpu.core_type<sc_vector_subcore>, window_params = [{transform_indices = #map}, {transform_indices = #map}, {transform_indices = #map1}, {transform_indices = #map}, {transform_indices = #map}]} {
    %mul3A = arith.constant 2 : i32
    %mul3A_0 = arith.muli %arg1, %mul3A : i32
    %add3A = arith.addi %mul3A_0, %arg0 : i32
    "tpu.region"() ({
      %run_scoped3A = tpu.sem_alloc : memref<!tpu.dma_semaphore, #tpu.memory_space<semaphore_mem>>
      %dma_start3A = arith.constant 0 : i32
      %dma_start3A_6 = arith.constant 0 : i32
      %dma_start3A_7 = tpu.memref_slice %arg4[%add3A, %dma_start3A, %dma_start3A_6] : memref<32x32x128xi32, #tpu.memory_space<hbm>> -> memref<1x32x128xi32, #tpu.memory_space<hbm>>
      %dma_start3A_8 = tpu.memref_squeeze %dma_start3A_7 : memref<1x32x128xi32, #tpu.memory_space<hbm>> -> memref<32x128xi32, #tpu.memory_space<hbm>>
      %dma_start3A_9 = arith.constant 0 : i32
      %dma_start3A_10 = arith.constant 0 : i32
      %dma_start3A_11 = tpu.memref_slice %arg4[%add3A, %dma_start3A_9, %dma_start3A_10] : memref<32x32x128xi32, #tpu.memory_space<hbm>> -> memref<1x32x128xi32, #tpu.memory_space<hbm>>
      %dma_start3A_12 = tpu.memref_squeeze %dma_start3A_11 : memref<1x32x128xi32, #tpu.memory_space<hbm>> -> memref<32x128xi32, #tpu.memory_space<hbm>>
      tpu.enqueue_dma source(%dma_start3A_12 : memref<32x128xi32, #tpu.memory_space<hbm>>) target(%arg7 : memref<32x128xi32, #tpu.memory_space<vmem>>) target_semaphore(%run_scoped3A : memref<!tpu.dma_semaphore, #tpu.memory_space<semaphore_mem>>)
      %dma_wait3A = arith.constant 0 : i32
      %dma_wait3A_13 = arith.constant 0 : i32
      %dma_wait3A_14 = tpu.memref_slice %arg4[%add3A, %dma_wait3A, %dma_wait3A_13] : memref<32x32x128xi32, #tpu.memory_space<hbm>> -> memref<1x32x128xi32, #tpu.memory_space<hbm>>
      %dma_wait3A_15 = tpu.memref_squeeze %dma_wait3A_14 : memref<1x32x128xi32, #tpu.memory_space<hbm>> -> memref<32x128xi32, #tpu.memory_space<hbm>>
      %dma_wait3A_16 = arith.constant 0 : i32
      %dma_wait3A_17 = arith.constant 0 : i32
      %dma_wait3A_18 = tpu.memref_slice %arg4[%add3A, %dma_wait3A_16, %dma_wait3A_17] : memref<32x32x128xi32, #tpu.memory_space<hbm>> -> memref<1x32x128xi32, #tpu.memory_space<hbm>>
      %dma_wait3A_19 = tpu.memref_squeeze %dma_wait3A_18 : memref<1x32x128xi32, #tpu.memory_space<hbm>> -> memref<32x128xi32, #tpu.memory_space<hbm>>
      tpu.wait_dma2 semaphore(%run_scoped3A : memref<!tpu.dma_semaphore, #tpu.memory_space<semaphore_mem>>) src(%dma_wait3A_19 : memref<32x128xi32, #tpu.memory_space<hbm>>) dst(%arg7 : memref<32x128xi32, #tpu.memory_space<vmem>>)
      tpu.yield
    }) : () -> ()
    %scan3A = arith.constant 0 : i32
    %scan3A_1 = arith.constant 0 : i32
    %scan3A_2 = arith.constant 32 : i32
    %scan3A_3 = arith.addi %scan3A_1, %scan3A_2 : i32
    %scan3A_4 = arith.constant 1 : i32
    scf.for %scan3A_6 = %scan3A_1 to %scan3A_3 step %scan3A_4  : i32 {
      %dma_start3A = arith.constant 0 : i32
      %dma_start3A_7 = tpu.memref_slice %arg7[%scan3A_6, %dma_start3A] : memref<32x128xi32, #tpu.memory_space<vmem>> -> memref<1x128xi32, #tpu.memory_space<vmem>>
      %dma_start3A_8 = tpu.memref_squeeze %dma_start3A_7 : memref<1x128xi32, #tpu.memory_space<vmem>> -> memref<128xi32, #tpu.memory_space<vmem>>
      %dma_start3A_9 = arith.constant 0 : i32
      %dma_start3A_10 = arith.constant 0 : i32
      %dma_start3A_11 = tpu.memref_slice %arg2[%dma_start3A_9, %dma_start3A_10] : memref<65536x128xf32, #tpu.memory_space<hbm>> -> memref<65536x128xf32, #tpu.memory_space<hbm>>
      tpu.enqueue_indirect_dma source(%dma_start3A_11 : memref<65536x128xf32, #tpu.memory_space<hbm>>) target(%arg8 : memref<128x128xf32, #tpu.memory_space<vmem>>) offsets(%dma_start3A_8 : memref<128xi32, #tpu.memory_space<vmem>>) semaphore(%arg10 : memref<!tpu.dma_semaphore, #tpu.memory_space<semaphore_mem>>)
      %dma_start3A_12 = arith.constant 0 : i32
      %dma_start3A_13 = tpu.memref_slice %arg7[%scan3A_6, %dma_start3A_12] : memref<32x128xi32, #tpu.memory_space<vmem>> -> memref<1x128xi32, #tpu.memory_space<vmem>>
      %dma_start3A_14 = tpu.memref_squeeze %dma_start3A_13 : memref<1x128xi32, #tpu.memory_space<vmem>> -> memref<128xi32, #tpu.memory_space<vmem>>
      %dma_start3A_15 = arith.constant 0 : i32
      %dma_start3A_16 = arith.constant 0 : i32
      %dma_start3A_17 = tpu.memref_slice %arg3[%dma_start3A_15, %dma_start3A_16] : memref<65536x128xf32, #tpu.memory_space<hbm>> -> memref<65536x128xf32, #tpu.memory_space<hbm>>
      tpu.enqueue_indirect_dma source(%dma_start3A_17 : memref<65536x128xf32, #tpu.memory_space<hbm>>) target(%arg9 : memref<128x128xf32, #tpu.memory_space<vmem>>) offsets(%dma_start3A_14 : memref<128xi32, #tpu.memory_space<vmem>>) semaphore(%arg11 : memref<!tpu.dma_semaphore, #tpu.memory_space<semaphore_mem>>)
      %dma_wait3A = arith.constant 0 : i32
      %dma_wait3A_18 = tpu.memref_slice %arg7[%scan3A_6, %dma_wait3A] : memref<32x128xi32, #tpu.memory_space<vmem>> -> memref<1x128xi32, #tpu.memory_space<vmem>>
      %dma_wait3A_19 = tpu.memref_squeeze %dma_wait3A_18 : memref<1x128xi32, #tpu.memory_space<vmem>> -> memref<128xi32, #tpu.memory_space<vmem>>
      %dma_wait3A_20 = arith.constant 0 : i32
      %dma_wait3A_21 = arith.constant 0 : i32
      %dma_wait3A_22 = tpu.memref_slice %arg2[%dma_wait3A_20, %dma_wait3A_21] : memref<65536x128xf32, #tpu.memory_space<hbm>> -> memref<65536x128xf32, #tpu.memory_space<hbm>>
      tpu.wait_indirect_dma semaphore(%arg10 : memref<!tpu.dma_semaphore, #tpu.memory_space<semaphore_mem>>) src(%dma_wait3A_22 : memref<65536x128xf32, #tpu.memory_space<hbm>>) dst(%arg8 : memref<128x128xf32, #tpu.memory_space<vmem>>)
      %dma_wait3A_23 = arith.constant 0 : i32
      %dma_wait3A_24 = tpu.memref_slice %arg7[%scan3A_6, %dma_wait3A_23] : memref<32x128xi32, #tpu.memory_space<vmem>> -> memref<1x128xi32, #tpu.memory_space<vmem>>
      %dma_wait3A_25 = tpu.memref_squeeze %dma_wait3A_24 : memref<1x128xi32, #tpu.memory_space<vmem>> -> memref<128xi32, #tpu.memory_space<vmem>>
      %dma_wait3A_26 = arith.constant 0 : i32
      %dma_wait3A_27 = arith.constant 0 : i32
      %dma_wait3A_28 = tpu.memref_slice %arg3[%dma_wait3A_26, %dma_wait3A_27] : memref<65536x128xf32, #tpu.memory_space<hbm>> -> memref<65536x128xf32, #tpu.memory_space<hbm>>
      tpu.wait_indirect_dma semaphore(%arg11 : memref<!tpu.dma_semaphore, #tpu.memory_space<semaphore_mem>>) src(%dma_wait3A_28 : memref<65536x128xf32, #tpu.memory_space<hbm>>) dst(%arg9 : memref<128x128xf32, #tpu.memory_space<vmem>>)
      %mul3A_29 = arith.constant 4096 : i32
      %mul3A_30 = arith.muli %add3A, %mul3A_29 : i32
      %mul3A_31 = arith.constant 128 : i32
      %mul3A_32 = arith.muli %scan3A_6, %mul3A_31 : i32
      %add3A_33 = arith.addi %mul3A_30, %mul3A_32 : i32
      "tpu.region"() ({
        %run_scoped3A = tpu.sem_alloc : memref<!tpu.dma_semaphore, #tpu.memory_space<semaphore_mem>>
        %dma_start3A_34 = arith.constant 0 : i32
        %dma_start3A_35 = tpu.memref_slice %arg5[%add3A_33, %dma_start3A_34] : memref<131072x128xf32, #tpu.memory_space<hbm>> -> memref<128x128xf32, #tpu.memory_space<hbm>>
        %dma_start3A_36 = arith.constant 0 : i32
        %dma_start3A_37 = tpu.memref_slice %arg5[%add3A_33, %dma_start3A_36] : memref<131072x128xf32, #tpu.memory_space<hbm>> -> memref<128x128xf32, #tpu.memory_space<hbm>>
        tpu.enqueue_dma source(%arg8 : memref<128x128xf32, #tpu.memory_space<vmem>>) target(%dma_start3A_37 : memref<128x128xf32, #tpu.memory_space<hbm>>) target_semaphore(%run_scoped3A : memref<!tpu.dma_semaphore, #tpu.memory_space<semaphore_mem>>)
        %dma_wait3A_38 = arith.constant 0 : i32
        %dma_wait3A_39 = tpu.memref_slice %arg5[%add3A_33, %dma_wait3A_38] : memref<131072x128xf32, #tpu.memory_space<hbm>> -> memref<128x128xf32, #tpu.memory_space<hbm>>
        %dma_wait3A_40 = arith.constant 0 : i32
        %dma_wait3A_41 = tpu.memref_slice %arg5[%add3A_33, %dma_wait3A_40] : memref<131072x128xf32, #tpu.memory_space<hbm>> -> memref<128x128xf32, #tpu.memory_space<hbm>>
        tpu.wait_dma2 semaphore(%run_scoped3A : memref<!tpu.dma_semaphore, #tpu.memory_space<semaphore_mem>>) src(%arg8 : memref<128x128xf32, #tpu.memory_space<vmem>>) dst(%dma_wait3A_41 : memref<128x128xf32, #tpu.memory_space<hbm>>)
        tpu.yield
      }) : () -> ()
      "tpu.region"() ({
        %run_scoped3A = tpu.sem_alloc : memref<!tpu.dma_semaphore, #tpu.memory_space<semaphore_mem>>
        %dma_start3A_34 = arith.constant 0 : i32
        %dma_start3A_35 = tpu.memref_slice %arg6[%add3A_33, %dma_start3A_34] : memref<131072x128xf32, #tpu.memory_space<hbm>> -> memref<128x128xf32, #tpu.memory_space<hbm>>
        %dma_start3A_36 = arith.constant 0 : i32
        %dma_start3A_37 = tpu.memref_slice %arg6[%add3A_33, %dma_start3A_36] : memref<131072x128xf32, #tpu.memory_space<hbm>> -> memref<128x128xf32, #tpu.memory_space<hbm>>
        tpu.enqueue_dma source(%arg9 : memref<128x128xf32, #tpu.memory_space<vmem>>) target(%dma_start3A_37 : memref<128x128xf32, #tpu.memory_space<hbm>>) target_semaphore(%run_scoped3A : memref<!tpu.dma_semaphore, #tpu.memory_space<semaphore_mem>>)
        %dma_wait3A_38 = arith.constant 0 : i32
        %dma_wait3A_39 = tpu.memref_slice %arg6[%add3A_33, %dma_wait3A_38] : memref<131072x128xf32, #tpu.memory_space<hbm>> -> memref<128x128xf32, #tpu.memory_space<hbm>>
        %dma_wait3A_40 = arith.constant 0 : i32
        %dma_wait3A_41 = tpu.memref_slice %arg6[%add3A_33, %dma_wait3A_40] : memref<131072x128xf32, #tpu.memory_space<hbm>> -> memref<128x128xf32, #tpu.memory_space<hbm>>
        tpu.wait_dma2 semaphore(%run_scoped3A : memref<!tpu.dma_semaphore, #tpu.memory_space<semaphore_mem>>) src(%arg9 : memref<128x128xf32, #tpu.memory_space<vmem>>) dst(%dma_wait3A_41 : memref<128x128xf32, #tpu.memory_space<hbm>>)
        tpu.yield
      }) : () -> ()
    }
    %scan3A_5 = arith.constant 32 : i32
    return
  }
}

module attributes {stable_mosaic.version = 14 : i64} {
  func.func @_fps_body(%arg0: memref<16x32x128xf32, #tpu.memory_space<vmem>>, %arg1: memref<16x32x128xf32, #tpu.memory_space<vmem>>, %arg2: memref<16x32x128xf32, #tpu.memory_space<vmem>>, %arg3: memref<16x2x128xf32, #tpu.memory_space<vmem>>, %arg4: memref<16x2x128xf32, #tpu.memory_space<vmem>>, %arg5: memref<16x2x128xf32, #tpu.memory_space<vmem>>) attributes {dimension_semantics = [], scalar_prefetch = 0 : i64, scratch_operands = 0 : i64, tpu.core_type = #tpu.core_type<tc>} {
    %get3A = arith.constant 0 : index
    %get3A_0 = arith.constant 0 : index
    %get3A_1 = arith.constant 0 : index
    %get3A_2 = vector.load %arg0[%get3A, %get3A_0, %get3A_1] : memref<16x32x128xf32, #tpu.memory_space<vmem>>, vector<16x32x128xf32>
    %get3A_3 = arith.constant 0 : index
    %get3A_4 = arith.constant 0 : index
    %get3A_5 = arith.constant 0 : index
    %get3A_6 = vector.load %arg1[%get3A_3, %get3A_4, %get3A_5] : memref<16x32x128xf32, #tpu.memory_space<vmem>>, vector<16x32x128xf32>
    %get3A_7 = arith.constant 0 : index
    %get3A_8 = arith.constant 0 : index
    %get3A_9 = arith.constant 0 : index
    %get3A_10 = vector.load %arg2[%get3A_7, %get3A_8, %get3A_9] : memref<16x32x128xf32, #tpu.memory_space<vmem>>, vector<16x32x128xf32>
    %iota3A = tpu.iota {dimensions = array<i32: 1>} : vector<1x32x128xi32>
    %mul3A = arith.constant 128 : i32
    %mul3A_11 = vector.broadcast %mul3A : i32 to vector<1x32x128xi32>
    %mul3A_12 = arith.muli %iota3A, %mul3A_11 : vector<1x32x128xi32>
    %iota3A_13 = tpu.iota {dimensions = array<i32: 2>} : vector<1x32x128xi32>
    %add3A = arith.addi %mul3A_12, %iota3A_13 : vector<1x32x128xi32>
    %iota3A_14 = tpu.iota {dimensions = array<i32: 1>} : vector<1x2x128xi32>
    %mul3A_15 = arith.constant 128 : i32
    %mul3A_16 = vector.broadcast %mul3A_15 : i32 to vector<1x2x128xi32>
    %mul3A_17 = arith.muli %iota3A_14, %mul3A_16 : vector<1x2x128xi32>
    %iota3A_18 = tpu.iota {dimensions = array<i32: 2>} : vector<1x2x128xi32>
    %add3A_19 = arith.addi %mul3A_17, %iota3A_18 : vector<1x2x128xi32>
    %broadcast_in_dim3A = arith.constant 1.000000e+10 : f32
    %broadcast_in_dim3A_20 = vector.broadcast %broadcast_in_dim3A : f32 to vector<16x32x128xf32>
    %broadcast_in_dim3A_21 = arith.constant 0 : i32
    %broadcast_in_dim3A_22 = vector.broadcast %broadcast_in_dim3A_21 : i32 to vector<16x1x1xi32>
    %broadcast_in_dim3A_23 = arith.constant 0.000000e+00 : f32
    %broadcast_in_dim3A_24 = vector.broadcast %broadcast_in_dim3A_23 : f32 to vector<16x2x128xf32>
    %broadcast_in_dim3A_25 = arith.constant 0.000000e+00 : f32
    %broadcast_in_dim3A_26 = vector.broadcast %broadcast_in_dim3A_25 : f32 to vector<16x2x128xf32>
    %broadcast_in_dim3A_27 = arith.constant 0.000000e+00 : f32
    %broadcast_in_dim3A_28 = vector.broadcast %broadcast_in_dim3A_27 : f32 to vector<16x2x128xf32>
    %scan3A = arith.constant 0 : i32
    %scan3A_29 = arith.constant 256 : i32
    %scan3A_30 = arith.addi %scan3A, %scan3A_29 : i32
    %scan3A_31 = arith.constant 4 : i32
    %scan3A_32:5 = scf.for %scan3A_45 = %scan3A to %scan3A_30 step %scan3A_31 iter_args(%scan3A_46 = %broadcast_in_dim3A_20, %scan3A_47 = %broadcast_in_dim3A_22, %scan3A_48 = %broadcast_in_dim3A_24, %scan3A_49 = %broadcast_in_dim3A_26, %scan3A_50 = %broadcast_in_dim3A_28) -> (vector<16x32x128xf32>, vector<16x1x1xi32>, vector<16x2x128xf32>, vector<16x2x128xf32>, vector<16x2x128xf32>)  : i32 {
      %eq3A = vector.broadcast %add3A : vector<1x32x128xi32> to vector<16x32x128xi32>
      %eq3A_51 = vector.broadcast %scan3A_47 : vector<16x1x1xi32> to vector<16x32x128xi32>
      %eq3A_52 = arith.cmpi eq, %eq3A, %eq3A_51 : vector<16x32x128xi32>
      %jit3A = arith.constant 0.000000e+00 : f32
      %broadcast_in_dim3A_53 = vector.broadcast %jit3A : f32 to vector<16x32x128xf32>
      %select_n3A = arith.select %eq3A_52, %get3A_2, %broadcast_in_dim3A_53 : vector<16x32x128xi1>, vector<16x32x128xf32>
      %reduce_sum3A = arith.constant dense<0.000000e+00> : vector<16xf32>
      %reduce_sum3A_54 = vector.multi_reduction <add>, %select_n3A, %reduce_sum3A [1, 2] : vector<16x32x128xf32> to vector<16xf32>
      %broadcast_in_dim3A_55 = vector.shape_cast %reduce_sum3A_54 : vector<16xf32> to vector<16x1x1xf32>
      %jit3A_56 = arith.constant 0.000000e+00 : f32
      %broadcast_in_dim3A_57 = vector.broadcast %jit3A_56 : f32 to vector<16x32x128xf32>
      %select_n3A_58 = arith.select %eq3A_52, %get3A_6, %broadcast_in_dim3A_57 : vector<16x32x128xi1>, vector<16x32x128xf32>
      %reduce_sum3A_59 = arith.constant dense<0.000000e+00> : vector<16xf32>
      %reduce_sum3A_60 = vector.multi_reduction <add>, %select_n3A_58, %reduce_sum3A_59 [1, 2] : vector<16x32x128xf32> to vector<16xf32>
      %broadcast_in_dim3A_61 = vector.shape_cast %reduce_sum3A_60 : vector<16xf32> to vector<16x1x1xf32>
      %jit3A_62 = arith.constant 0.000000e+00 : f32
      %broadcast_in_dim3A_63 = vector.broadcast %jit3A_62 : f32 to vector<16x32x128xf32>
      %select_n3A_64 = arith.select %eq3A_52, %get3A_10, %broadcast_in_dim3A_63 : vector<16x32x128xi1>, vector<16x32x128xf32>
      %reduce_sum3A_65 = arith.constant dense<0.000000e+00> : vector<16xf32>
      %reduce_sum3A_66 = vector.multi_reduction <add>, %select_n3A_64, %reduce_sum3A_65 [1, 2] : vector<16x32x128xf32> to vector<16xf32>
      %broadcast_in_dim3A_67 = vector.shape_cast %reduce_sum3A_66 : vector<16xf32> to vector<16x1x1xf32>
      %sub3A = vector.broadcast %broadcast_in_dim3A_55 : vector<16x1x1xf32> to vector<16x32x128xf32>
      %sub3A_68 = arith.subf %get3A_2, %sub3A : vector<16x32x128xf32>
      %sub3A_69 = vector.broadcast %broadcast_in_dim3A_55 : vector<16x1x1xf32> to vector<16x32x128xf32>
      %sub3A_70 = arith.subf %get3A_2, %sub3A_69 : vector<16x32x128xf32>
      %mul3A_71 = arith.mulf %sub3A_68, %sub3A_70 : vector<16x32x128xf32>
      %sub3A_72 = vector.broadcast %broadcast_in_dim3A_61 : vector<16x1x1xf32> to vector<16x32x128xf32>
      %sub3A_73 = arith.subf %get3A_6, %sub3A_72 : vector<16x32x128xf32>
      %sub3A_74 = vector.broadcast %broadcast_in_dim3A_61 : vector<16x1x1xf32> to vector<16x32x128xf32>
      %sub3A_75 = arith.subf %get3A_6, %sub3A_74 : vector<16x32x128xf32>
      %mul3A_76 = arith.mulf %sub3A_73, %sub3A_75 : vector<16x32x128xf32>
      %add3A_77 = arith.addf %mul3A_71, %mul3A_76 : vector<16x32x128xf32>
      %sub3A_78 = vector.broadcast %broadcast_in_dim3A_67 : vector<16x1x1xf32> to vector<16x32x128xf32>
      %sub3A_79 = arith.subf %get3A_10, %sub3A_78 : vector<16x32x128xf32>
      %sub3A_80 = vector.broadcast %broadcast_in_dim3A_67 : vector<16x1x1xf32> to vector<16x32x128xf32>
      %sub3A_81 = arith.subf %get3A_10, %sub3A_80 : vector<16x32x128xf32>
      %mul3A_82 = arith.mulf %sub3A_79, %sub3A_81 : vector<16x32x128xf32>
      %add3A_83 = arith.addf %add3A_77, %mul3A_82 : vector<16x32x128xf32>
      %min3A = arith.minimumf %scan3A_46, %add3A_83 : vector<16x32x128xf32>
      %reduce_max3A = arith.constant dense<0xFF800000> : vector<16xf32>
      %reduce_max3A_84 = vector.multi_reduction <maximumf>, %min3A, %reduce_max3A [1, 2] : vector<16x32x128xf32> to vector<16xf32>
      %broadcast_in_dim3A_85 = vector.shape_cast %reduce_max3A_84 : vector<16xf32> to vector<16x1x1xf32>
      %eq3A_86 = vector.broadcast %broadcast_in_dim3A_85 : vector<16x1x1xf32> to vector<16x32x128xf32>
      %eq3A_87 = arith.cmpf oeq, %min3A, %eq3A_86 : vector<16x32x128xf32>
      %jit3A_88 = arith.constant 4096 : i32
      %broadcast_in_dim3A_89 = vector.shape_cast %add3A : vector<1x32x128xi32> to vector<1x32x128xi32>
      %broadcast_in_dim3A_90 = vector.broadcast %broadcast_in_dim3A_89 : vector<1x32x128xi32> to vector<16x32x128xi32>
      %broadcast_in_dim3A_91 = vector.broadcast %jit3A_88 : i32 to vector<16x32x128xi32>
      %select_n3A_92 = arith.select %eq3A_87, %broadcast_in_dim3A_90, %broadcast_in_dim3A_91 : vector<16x32x128xi1>, vector<16x32x128xi32>
      %reduce_min3A = arith.constant dense<2147483647> : vector<16xi32>
      %reduce_min3A_93 = vector.multi_reduction <minsi>, %select_n3A_92, %reduce_min3A [1, 2] : vector<16x32x128xi32> to vector<16xi32>
      %broadcast_in_dim3A_94 = vector.shape_cast %reduce_min3A_93 : vector<16xi32> to vector<16x1x1xi32>
      %eq3A_95 = vector.broadcast %scan3A_45 : i32 to vector<1x2x128xi32>
      %eq3A_96 = arith.cmpi eq, %add3A_19, %eq3A_95 : vector<1x2x128xi32>
      %broadcast_in_dim3A_97 = vector.shape_cast %eq3A_96 : vector<1x2x128xi1> to vector<1x2x128xi1>
      %broadcast_in_dim3A_98 = vector.broadcast %broadcast_in_dim3A_97 : vector<1x2x128xi1> to vector<16x2x128xi1>
      %broadcast_in_dim3A_99 = vector.shape_cast %broadcast_in_dim3A_55 : vector<16x1x1xf32> to vector<16x1x1xf32>
      %broadcast_in_dim3A_100 = vector.broadcast %broadcast_in_dim3A_99 : vector<16x1x1xf32> to vector<16x2x128xf32>
      %select_n3A_101 = arith.select %broadcast_in_dim3A_98, %broadcast_in_dim3A_100, %scan3A_48 : vector<16x2x128xi1>, vector<16x2x128xf32>
      %broadcast_in_dim3A_102 = vector.shape_cast %eq3A_96 : vector<1x2x128xi1> to vector<1x2x128xi1>
      %broadcast_in_dim3A_103 = vector.broadcast %broadcast_in_dim3A_102 : vector<1x2x128xi1> to vector<16x2x128xi1>
      %broadcast_in_dim3A_104 = vector.shape_cast %broadcast_in_dim3A_61 : vector<16x1x1xf32> to vector<16x1x1xf32>
      %broadcast_in_dim3A_105 = vector.broadcast %broadcast_in_dim3A_104 : vector<16x1x1xf32> to vector<16x2x128xf32>
      %select_n3A_106 = arith.select %broadcast_in_dim3A_103, %broadcast_in_dim3A_105, %scan3A_49 : vector<16x2x128xi1>, vector<16x2x128xf32>
      %broadcast_in_dim3A_107 = vector.shape_cast %eq3A_96 : vector<1x2x128xi1> to vector<1x2x128xi1>
      %broadcast_in_dim3A_108 = vector.broadcast %broadcast_in_dim3A_107 : vector<1x2x128xi1> to vector<16x2x128xi1>
      %broadcast_in_dim3A_109 = vector.shape_cast %broadcast_in_dim3A_67 : vector<16x1x1xf32> to vector<16x1x1xf32>
      %broadcast_in_dim3A_110 = vector.broadcast %broadcast_in_dim3A_109 : vector<16x1x1xf32> to vector<16x2x128xf32>
      %select_n3A_111 = arith.select %broadcast_in_dim3A_108, %broadcast_in_dim3A_110, %scan3A_50 : vector<16x2x128xi1>, vector<16x2x128xf32>
      %scan3A_112 = arith.constant 1 : i32
      %scan3A_113 = arith.addi %scan3A_45, %scan3A_112 : i32
      %eq3A_114 = vector.broadcast %add3A : vector<1x32x128xi32> to vector<16x32x128xi32>
      %eq3A_115 = vector.broadcast %broadcast_in_dim3A_94 : vector<16x1x1xi32> to vector<16x32x128xi32>
      %eq3A_116 = arith.cmpi eq, %eq3A_114, %eq3A_115 : vector<16x32x128xi32>
      %jit3A_117 = arith.constant 0.000000e+00 : f32
      %broadcast_in_dim3A_118 = vector.broadcast %jit3A_117 : f32 to vector<16x32x128xf32>
      %select_n3A_119 = arith.select %eq3A_116, %get3A_2, %broadcast_in_dim3A_118 : vector<16x32x128xi1>, vector<16x32x128xf32>
      %reduce_sum3A_120 = arith.constant dense<0.000000e+00> : vector<16xf32>
      %reduce_sum3A_121 = vector.multi_reduction <add>, %select_n3A_119, %reduce_sum3A_120 [1, 2] : vector<16x32x128xf32> to vector<16xf32>
      %broadcast_in_dim3A_122 = vector.shape_cast %reduce_sum3A_121 : vector<16xf32> to vector<16x1x1xf32>
      %jit3A_123 = arith.constant 0.000000e+00 : f32
      %broadcast_in_dim3A_124 = vector.broadcast %jit3A_123 : f32 to vector<16x32x128xf32>
      %select_n3A_125 = arith.select %eq3A_116, %get3A_6, %broadcast_in_dim3A_124 : vector<16x32x128xi1>, vector<16x32x128xf32>
      %reduce_sum3A_126 = arith.constant dense<0.000000e+00> : vector<16xf32>
      %reduce_sum3A_127 = vector.multi_reduction <add>, %select_n3A_125, %reduce_sum3A_126 [1, 2] : vector<16x32x128xf32> to vector<16xf32>
      %broadcast_in_dim3A_128 = vector.shape_cast %reduce_sum3A_127 : vector<16xf32> to vector<16x1x1xf32>
      %jit3A_129 = arith.constant 0.000000e+00 : f32
      %broadcast_in_dim3A_130 = vector.broadcast %jit3A_129 : f32 to vector<16x32x128xf32>
      %select_n3A_131 = arith.select %eq3A_116, %get3A_10, %broadcast_in_dim3A_130 : vector<16x32x128xi1>, vector<16x32x128xf32>
      %reduce_sum3A_132 = arith.constant dense<0.000000e+00> : vector<16xf32>
      %reduce_sum3A_133 = vector.multi_reduction <add>, %select_n3A_131, %reduce_sum3A_132 [1, 2] : vector<16x32x128xf32> to vector<16xf32>
      %broadcast_in_dim3A_134 = vector.shape_cast %reduce_sum3A_133 : vector<16xf32> to vector<16x1x1xf32>
      %sub3A_135 = vector.broadcast %broadcast_in_dim3A_122 : vector<16x1x1xf32> to vector<16x32x128xf32>
      %sub3A_136 = arith.subf %get3A_2, %sub3A_135 : vector<16x32x128xf32>
      %sub3A_137 = vector.broadcast %broadcast_in_dim3A_122 : vector<16x1x1xf32> to vector<16x32x128xf32>
      %sub3A_138 = arith.subf %get3A_2, %sub3A_137 : vector<16x32x128xf32>
      %mul3A_139 = arith.mulf %sub3A_136, %sub3A_138 : vector<16x32x128xf32>
      %sub3A_140 = vector.broadcast %broadcast_in_dim3A_128 : vector<16x1x1xf32> to vector<16x32x128xf32>
      %sub3A_141 = arith.subf %get3A_6, %sub3A_140 : vector<16x32x128xf32>
      %sub3A_142 = vector.broadcast %broadcast_in_dim3A_128 : vector<16x1x1xf32> to vector<16x32x128xf32>
      %sub3A_143 = arith.subf %get3A_6, %sub3A_142 : vector<16x32x128xf32>
      %mul3A_144 = arith.mulf %sub3A_141, %sub3A_143 : vector<16x32x128xf32>
      %add3A_145 = arith.addf %mul3A_139, %mul3A_144 : vector<16x32x128xf32>
      %sub3A_146 = vector.broadcast %broadcast_in_dim3A_134 : vector<16x1x1xf32> to vector<16x32x128xf32>
      %sub3A_147 = arith.subf %get3A_10, %sub3A_146 : vector<16x32x128xf32>
      %sub3A_148 = vector.broadcast %broadcast_in_dim3A_134 : vector<16x1x1xf32> to vector<16x32x128xf32>
      %sub3A_149 = arith.subf %get3A_10, %sub3A_148 : vector<16x32x128xf32>
      %mul3A_150 = arith.mulf %sub3A_147, %sub3A_149 : vector<16x32x128xf32>
      %add3A_151 = arith.addf %add3A_145, %mul3A_150 : vector<16x32x128xf32>
      %min3A_152 = arith.minimumf %min3A, %add3A_151 : vector<16x32x128xf32>
      %reduce_max3A_153 = arith.constant dense<0xFF800000> : vector<16xf32>
      %reduce_max3A_154 = vector.multi_reduction <maximumf>, %min3A_152, %reduce_max3A_153 [1, 2] : vector<16x32x128xf32> to vector<16xf32>
      %broadcast_in_dim3A_155 = vector.shape_cast %reduce_max3A_154 : vector<16xf32> to vector<16x1x1xf32>
      %eq3A_156 = vector.broadcast %broadcast_in_dim3A_155 : vector<16x1x1xf32> to vector<16x32x128xf32>
      %eq3A_157 = arith.cmpf oeq, %min3A_152, %eq3A_156 : vector<16x32x128xf32>
      %jit3A_158 = arith.constant 4096 : i32
      %broadcast_in_dim3A_159 = vector.shape_cast %add3A : vector<1x32x128xi32> to vector<1x32x128xi32>
      %broadcast_in_dim3A_160 = vector.broadcast %broadcast_in_dim3A_159 : vector<1x32x128xi32> to vector<16x32x128xi32>
      %broadcast_in_dim3A_161 = vector.broadcast %jit3A_158 : i32 to vector<16x32x128xi32>
      %select_n3A_162 = arith.select %eq3A_157, %broadcast_in_dim3A_160, %broadcast_in_dim3A_161 : vector<16x32x128xi1>, vector<16x32x128xi32>
      %reduce_min3A_163 = arith.constant dense<2147483647> : vector<16xi32>
      %reduce_min3A_164 = vector.multi_reduction <minsi>, %select_n3A_162, %reduce_min3A_163 [1, 2] : vector<16x32x128xi32> to vector<16xi32>
      %broadcast_in_dim3A_165 = vector.shape_cast %reduce_min3A_164 : vector<16xi32> to vector<16x1x1xi32>
      %eq3A_166 = vector.broadcast %scan3A_113 : i32 to vector<1x2x128xi32>
      %eq3A_167 = arith.cmpi eq, %add3A_19, %eq3A_166 : vector<1x2x128xi32>
      %broadcast_in_dim3A_168 = vector.shape_cast %eq3A_167 : vector<1x2x128xi1> to vector<1x2x128xi1>
      %broadcast_in_dim3A_169 = vector.broadcast %broadcast_in_dim3A_168 : vector<1x2x128xi1> to vector<16x2x128xi1>
      %broadcast_in_dim3A_170 = vector.shape_cast %broadcast_in_dim3A_122 : vector<16x1x1xf32> to vector<16x1x1xf32>
      %broadcast_in_dim3A_171 = vector.broadcast %broadcast_in_dim3A_170 : vector<16x1x1xf32> to vector<16x2x128xf32>
      %select_n3A_172 = arith.select %broadcast_in_dim3A_169, %broadcast_in_dim3A_171, %select_n3A_101 : vector<16x2x128xi1>, vector<16x2x128xf32>
      %broadcast_in_dim3A_173 = vector.shape_cast %eq3A_167 : vector<1x2x128xi1> to vector<1x2x128xi1>
      %broadcast_in_dim3A_174 = vector.broadcast %broadcast_in_dim3A_173 : vector<1x2x128xi1> to vector<16x2x128xi1>
      %broadcast_in_dim3A_175 = vector.shape_cast %broadcast_in_dim3A_128 : vector<16x1x1xf32> to vector<16x1x1xf32>
      %broadcast_in_dim3A_176 = vector.broadcast %broadcast_in_dim3A_175 : vector<16x1x1xf32> to vector<16x2x128xf32>
      %select_n3A_177 = arith.select %broadcast_in_dim3A_174, %broadcast_in_dim3A_176, %select_n3A_106 : vector<16x2x128xi1>, vector<16x2x128xf32>
      %broadcast_in_dim3A_178 = vector.shape_cast %eq3A_167 : vector<1x2x128xi1> to vector<1x2x128xi1>
      %broadcast_in_dim3A_179 = vector.broadcast %broadcast_in_dim3A_178 : vector<1x2x128xi1> to vector<16x2x128xi1>
      %broadcast_in_dim3A_180 = vector.shape_cast %broadcast_in_dim3A_134 : vector<16x1x1xf32> to vector<16x1x1xf32>
      %broadcast_in_dim3A_181 = vector.broadcast %broadcast_in_dim3A_180 : vector<16x1x1xf32> to vector<16x2x128xf32>
      %select_n3A_182 = arith.select %broadcast_in_dim3A_179, %broadcast_in_dim3A_181, %select_n3A_111 : vector<16x2x128xi1>, vector<16x2x128xf32>
      %scan3A_183 = arith.constant 2 : i32
      %scan3A_184 = arith.addi %scan3A_45, %scan3A_183 : i32
      %eq3A_185 = vector.broadcast %add3A : vector<1x32x128xi32> to vector<16x32x128xi32>
      %eq3A_186 = vector.broadcast %broadcast_in_dim3A_165 : vector<16x1x1xi32> to vector<16x32x128xi32>
      %eq3A_187 = arith.cmpi eq, %eq3A_185, %eq3A_186 : vector<16x32x128xi32>
      %jit3A_188 = arith.constant 0.000000e+00 : f32
      %broadcast_in_dim3A_189 = vector.broadcast %jit3A_188 : f32 to vector<16x32x128xf32>
      %select_n3A_190 = arith.select %eq3A_187, %get3A_2, %broadcast_in_dim3A_189 : vector<16x32x128xi1>, vector<16x32x128xf32>
      %reduce_sum3A_191 = arith.constant dense<0.000000e+00> : vector<16xf32>
      %reduce_sum3A_192 = vector.multi_reduction <add>, %select_n3A_190, %reduce_sum3A_191 [1, 2] : vector<16x32x128xf32> to vector<16xf32>
      %broadcast_in_dim3A_193 = vector.shape_cast %reduce_sum3A_192 : vector<16xf32> to vector<16x1x1xf32>
      %jit3A_194 = arith.constant 0.000000e+00 : f32
      %broadcast_in_dim3A_195 = vector.broadcast %jit3A_194 : f32 to vector<16x32x128xf32>
      %select_n3A_196 = arith.select %eq3A_187, %get3A_6, %broadcast_in_dim3A_195 : vector<16x32x128xi1>, vector<16x32x128xf32>
      %reduce_sum3A_197 = arith.constant dense<0.000000e+00> : vector<16xf32>
      %reduce_sum3A_198 = vector.multi_reduction <add>, %select_n3A_196, %reduce_sum3A_197 [1, 2] : vector<16x32x128xf32> to vector<16xf32>
      %broadcast_in_dim3A_199 = vector.shape_cast %reduce_sum3A_198 : vector<16xf32> to vector<16x1x1xf32>
      %jit3A_200 = arith.constant 0.000000e+00 : f32
      %broadcast_in_dim3A_201 = vector.broadcast %jit3A_200 : f32 to vector<16x32x128xf32>
      %select_n3A_202 = arith.select %eq3A_187, %get3A_10, %broadcast_in_dim3A_201 : vector<16x32x128xi1>, vector<16x32x128xf32>
      %reduce_sum3A_203 = arith.constant dense<0.000000e+00> : vector<16xf32>
      %reduce_sum3A_204 = vector.multi_reduction <add>, %select_n3A_202, %reduce_sum3A_203 [1, 2] : vector<16x32x128xf32> to vector<16xf32>
      %broadcast_in_dim3A_205 = vector.shape_cast %reduce_sum3A_204 : vector<16xf32> to vector<16x1x1xf32>
      %sub3A_206 = vector.broadcast %broadcast_in_dim3A_193 : vector<16x1x1xf32> to vector<16x32x128xf32>
      %sub3A_207 = arith.subf %get3A_2, %sub3A_206 : vector<16x32x128xf32>
      %sub3A_208 = vector.broadcast %broadcast_in_dim3A_193 : vector<16x1x1xf32> to vector<16x32x128xf32>
      %sub3A_209 = arith.subf %get3A_2, %sub3A_208 : vector<16x32x128xf32>
      %mul3A_210 = arith.mulf %sub3A_207, %sub3A_209 : vector<16x32x128xf32>
      %sub3A_211 = vector.broadcast %broadcast_in_dim3A_199 : vector<16x1x1xf32> to vector<16x32x128xf32>
      %sub3A_212 = arith.subf %get3A_6, %sub3A_211 : vector<16x32x128xf32>
      %sub3A_213 = vector.broadcast %broadcast_in_dim3A_199 : vector<16x1x1xf32> to vector<16x32x128xf32>
      %sub3A_214 = arith.subf %get3A_6, %sub3A_213 : vector<16x32x128xf32>
      %mul3A_215 = arith.mulf %sub3A_212, %sub3A_214 : vector<16x32x128xf32>
      %add3A_216 = arith.addf %mul3A_210, %mul3A_215 : vector<16x32x128xf32>
      %sub3A_217 = vector.broadcast %broadcast_in_dim3A_205 : vector<16x1x1xf32> to vector<16x32x128xf32>
      %sub3A_218 = arith.subf %get3A_10, %sub3A_217 : vector<16x32x128xf32>
      %sub3A_219 = vector.broadcast %broadcast_in_dim3A_205 : vector<16x1x1xf32> to vector<16x32x128xf32>
      %sub3A_220 = arith.subf %get3A_10, %sub3A_219 : vector<16x32x128xf32>
      %mul3A_221 = arith.mulf %sub3A_218, %sub3A_220 : vector<16x32x128xf32>
      %add3A_222 = arith.addf %add3A_216, %mul3A_221 : vector<16x32x128xf32>
      %min3A_223 = arith.minimumf %min3A_152, %add3A_222 : vector<16x32x128xf32>
      %reduce_max3A_224 = arith.constant dense<0xFF800000> : vector<16xf32>
      %reduce_max3A_225 = vector.multi_reduction <maximumf>, %min3A_223, %reduce_max3A_224 [1, 2] : vector<16x32x128xf32> to vector<16xf32>
      %broadcast_in_dim3A_226 = vector.shape_cast %reduce_max3A_225 : vector<16xf32> to vector<16x1x1xf32>
      %eq3A_227 = vector.broadcast %broadcast_in_dim3A_226 : vector<16x1x1xf32> to vector<16x32x128xf32>
      %eq3A_228 = arith.cmpf oeq, %min3A_223, %eq3A_227 : vector<16x32x128xf32>
      %jit3A_229 = arith.constant 4096 : i32
      %broadcast_in_dim3A_230 = vector.shape_cast %add3A : vector<1x32x128xi32> to vector<1x32x128xi32>
      %broadcast_in_dim3A_231 = vector.broadcast %broadcast_in_dim3A_230 : vector<1x32x128xi32> to vector<16x32x128xi32>
      %broadcast_in_dim3A_232 = vector.broadcast %jit3A_229 : i32 to vector<16x32x128xi32>
      %select_n3A_233 = arith.select %eq3A_228, %broadcast_in_dim3A_231, %broadcast_in_dim3A_232 : vector<16x32x128xi1>, vector<16x32x128xi32>
      %reduce_min3A_234 = arith.constant dense<2147483647> : vector<16xi32>
      %reduce_min3A_235 = vector.multi_reduction <minsi>, %select_n3A_233, %reduce_min3A_234 [1, 2] : vector<16x32x128xi32> to vector<16xi32>
      %broadcast_in_dim3A_236 = vector.shape_cast %reduce_min3A_235 : vector<16xi32> to vector<16x1x1xi32>
      %eq3A_237 = vector.broadcast %scan3A_184 : i32 to vector<1x2x128xi32>
      %eq3A_238 = arith.cmpi eq, %add3A_19, %eq3A_237 : vector<1x2x128xi32>
      %broadcast_in_dim3A_239 = vector.shape_cast %eq3A_238 : vector<1x2x128xi1> to vector<1x2x128xi1>
      %broadcast_in_dim3A_240 = vector.broadcast %broadcast_in_dim3A_239 : vector<1x2x128xi1> to vector<16x2x128xi1>
      %broadcast_in_dim3A_241 = vector.shape_cast %broadcast_in_dim3A_193 : vector<16x1x1xf32> to vector<16x1x1xf32>
      %broadcast_in_dim3A_242 = vector.broadcast %broadcast_in_dim3A_241 : vector<16x1x1xf32> to vector<16x2x128xf32>
      %select_n3A_243 = arith.select %broadcast_in_dim3A_240, %broadcast_in_dim3A_242, %select_n3A_172 : vector<16x2x128xi1>, vector<16x2x128xf32>
      %broadcast_in_dim3A_244 = vector.shape_cast %eq3A_238 : vector<1x2x128xi1> to vector<1x2x128xi1>
      %broadcast_in_dim3A_245 = vector.broadcast %broadcast_in_dim3A_244 : vector<1x2x128xi1> to vector<16x2x128xi1>
      %broadcast_in_dim3A_246 = vector.shape_cast %broadcast_in_dim3A_199 : vector<16x1x1xf32> to vector<16x1x1xf32>
      %broadcast_in_dim3A_247 = vector.broadcast %broadcast_in_dim3A_246 : vector<16x1x1xf32> to vector<16x2x128xf32>
      %select_n3A_248 = arith.select %broadcast_in_dim3A_245, %broadcast_in_dim3A_247, %select_n3A_177 : vector<16x2x128xi1>, vector<16x2x128xf32>
      %broadcast_in_dim3A_249 = vector.shape_cast %eq3A_238 : vector<1x2x128xi1> to vector<1x2x128xi1>
      %broadcast_in_dim3A_250 = vector.broadcast %broadcast_in_dim3A_249 : vector<1x2x128xi1> to vector<16x2x128xi1>
      %broadcast_in_dim3A_251 = vector.shape_cast %broadcast_in_dim3A_205 : vector<16x1x1xf32> to vector<16x1x1xf32>
      %broadcast_in_dim3A_252 = vector.broadcast %broadcast_in_dim3A_251 : vector<16x1x1xf32> to vector<16x2x128xf32>
      %select_n3A_253 = arith.select %broadcast_in_dim3A_250, %broadcast_in_dim3A_252, %select_n3A_182 : vector<16x2x128xi1>, vector<16x2x128xf32>
      %scan3A_254 = arith.constant 3 : i32
      %scan3A_255 = arith.addi %scan3A_45, %scan3A_254 : i32
      %eq3A_256 = vector.broadcast %add3A : vector<1x32x128xi32> to vector<16x32x128xi32>
      %eq3A_257 = vector.broadcast %broadcast_in_dim3A_236 : vector<16x1x1xi32> to vector<16x32x128xi32>
      %eq3A_258 = arith.cmpi eq, %eq3A_256, %eq3A_257 : vector<16x32x128xi32>
      %jit3A_259 = arith.constant 0.000000e+00 : f32
      %broadcast_in_dim3A_260 = vector.broadcast %jit3A_259 : f32 to vector<16x32x128xf32>
      %select_n3A_261 = arith.select %eq3A_258, %get3A_2, %broadcast_in_dim3A_260 : vector<16x32x128xi1>, vector<16x32x128xf32>
      %reduce_sum3A_262 = arith.constant dense<0.000000e+00> : vector<16xf32>
      %reduce_sum3A_263 = vector.multi_reduction <add>, %select_n3A_261, %reduce_sum3A_262 [1, 2] : vector<16x32x128xf32> to vector<16xf32>
      %broadcast_in_dim3A_264 = vector.shape_cast %reduce_sum3A_263 : vector<16xf32> to vector<16x1x1xf32>
      %jit3A_265 = arith.constant 0.000000e+00 : f32
      %broadcast_in_dim3A_266 = vector.broadcast %jit3A_265 : f32 to vector<16x32x128xf32>
      %select_n3A_267 = arith.select %eq3A_258, %get3A_6, %broadcast_in_dim3A_266 : vector<16x32x128xi1>, vector<16x32x128xf32>
      %reduce_sum3A_268 = arith.constant dense<0.000000e+00> : vector<16xf32>
      %reduce_sum3A_269 = vector.multi_reduction <add>, %select_n3A_267, %reduce_sum3A_268 [1, 2] : vector<16x32x128xf32> to vector<16xf32>
      %broadcast_in_dim3A_270 = vector.shape_cast %reduce_sum3A_269 : vector<16xf32> to vector<16x1x1xf32>
      %jit3A_271 = arith.constant 0.000000e+00 : f32
      %broadcast_in_dim3A_272 = vector.broadcast %jit3A_271 : f32 to vector<16x32x128xf32>
      %select_n3A_273 = arith.select %eq3A_258, %get3A_10, %broadcast_in_dim3A_272 : vector<16x32x128xi1>, vector<16x32x128xf32>
      %reduce_sum3A_274 = arith.constant dense<0.000000e+00> : vector<16xf32>
      %reduce_sum3A_275 = vector.multi_reduction <add>, %select_n3A_273, %reduce_sum3A_274 [1, 2] : vector<16x32x128xf32> to vector<16xf32>
      %broadcast_in_dim3A_276 = vector.shape_cast %reduce_sum3A_275 : vector<16xf32> to vector<16x1x1xf32>
      %sub3A_277 = vector.broadcast %broadcast_in_dim3A_264 : vector<16x1x1xf32> to vector<16x32x128xf32>
      %sub3A_278 = arith.subf %get3A_2, %sub3A_277 : vector<16x32x128xf32>
      %sub3A_279 = vector.broadcast %broadcast_in_dim3A_264 : vector<16x1x1xf32> to vector<16x32x128xf32>
      %sub3A_280 = arith.subf %get3A_2, %sub3A_279 : vector<16x32x128xf32>
      %mul3A_281 = arith.mulf %sub3A_278, %sub3A_280 : vector<16x32x128xf32>
      %sub3A_282 = vector.broadcast %broadcast_in_dim3A_270 : vector<16x1x1xf32> to vector<16x32x128xf32>
      %sub3A_283 = arith.subf %get3A_6, %sub3A_282 : vector<16x32x128xf32>
      %sub3A_284 = vector.broadcast %broadcast_in_dim3A_270 : vector<16x1x1xf32> to vector<16x32x128xf32>
      %sub3A_285 = arith.subf %get3A_6, %sub3A_284 : vector<16x32x128xf32>
      %mul3A_286 = arith.mulf %sub3A_283, %sub3A_285 : vector<16x32x128xf32>
      %add3A_287 = arith.addf %mul3A_281, %mul3A_286 : vector<16x32x128xf32>
      %sub3A_288 = vector.broadcast %broadcast_in_dim3A_276 : vector<16x1x1xf32> to vector<16x32x128xf32>
      %sub3A_289 = arith.subf %get3A_10, %sub3A_288 : vector<16x32x128xf32>
      %sub3A_290 = vector.broadcast %broadcast_in_dim3A_276 : vector<16x1x1xf32> to vector<16x32x128xf32>
      %sub3A_291 = arith.subf %get3A_10, %sub3A_290 : vector<16x32x128xf32>
      %mul3A_292 = arith.mulf %sub3A_289, %sub3A_291 : vector<16x32x128xf32>
      %add3A_293 = arith.addf %add3A_287, %mul3A_292 : vector<16x32x128xf32>
      %min3A_294 = arith.minimumf %min3A_223, %add3A_293 : vector<16x32x128xf32>
      %reduce_max3A_295 = arith.constant dense<0xFF800000> : vector<16xf32>
      %reduce_max3A_296 = vector.multi_reduction <maximumf>, %min3A_294, %reduce_max3A_295 [1, 2] : vector<16x32x128xf32> to vector<16xf32>
      %broadcast_in_dim3A_297 = vector.shape_cast %reduce_max3A_296 : vector<16xf32> to vector<16x1x1xf32>
      %eq3A_298 = vector.broadcast %broadcast_in_dim3A_297 : vector<16x1x1xf32> to vector<16x32x128xf32>
      %eq3A_299 = arith.cmpf oeq, %min3A_294, %eq3A_298 : vector<16x32x128xf32>
      %jit3A_300 = arith.constant 4096 : i32
      %broadcast_in_dim3A_301 = vector.shape_cast %add3A : vector<1x32x128xi32> to vector<1x32x128xi32>
      %broadcast_in_dim3A_302 = vector.broadcast %broadcast_in_dim3A_301 : vector<1x32x128xi32> to vector<16x32x128xi32>
      %broadcast_in_dim3A_303 = vector.broadcast %jit3A_300 : i32 to vector<16x32x128xi32>
      %select_n3A_304 = arith.select %eq3A_299, %broadcast_in_dim3A_302, %broadcast_in_dim3A_303 : vector<16x32x128xi1>, vector<16x32x128xi32>
      %reduce_min3A_305 = arith.constant dense<2147483647> : vector<16xi32>
      %reduce_min3A_306 = vector.multi_reduction <minsi>, %select_n3A_304, %reduce_min3A_305 [1, 2] : vector<16x32x128xi32> to vector<16xi32>
      %broadcast_in_dim3A_307 = vector.shape_cast %reduce_min3A_306 : vector<16xi32> to vector<16x1x1xi32>
      %eq3A_308 = vector.broadcast %scan3A_255 : i32 to vector<1x2x128xi32>
      %eq3A_309 = arith.cmpi eq, %add3A_19, %eq3A_308 : vector<1x2x128xi32>
      %broadcast_in_dim3A_310 = vector.shape_cast %eq3A_309 : vector<1x2x128xi1> to vector<1x2x128xi1>
      %broadcast_in_dim3A_311 = vector.broadcast %broadcast_in_dim3A_310 : vector<1x2x128xi1> to vector<16x2x128xi1>
      %broadcast_in_dim3A_312 = vector.shape_cast %broadcast_in_dim3A_264 : vector<16x1x1xf32> to vector<16x1x1xf32>
      %broadcast_in_dim3A_313 = vector.broadcast %broadcast_in_dim3A_312 : vector<16x1x1xf32> to vector<16x2x128xf32>
      %select_n3A_314 = arith.select %broadcast_in_dim3A_311, %broadcast_in_dim3A_313, %select_n3A_243 : vector<16x2x128xi1>, vector<16x2x128xf32>
      %broadcast_in_dim3A_315 = vector.shape_cast %eq3A_309 : vector<1x2x128xi1> to vector<1x2x128xi1>
      %broadcast_in_dim3A_316 = vector.broadcast %broadcast_in_dim3A_315 : vector<1x2x128xi1> to vector<16x2x128xi1>
      %broadcast_in_dim3A_317 = vector.shape_cast %broadcast_in_dim3A_270 : vector<16x1x1xf32> to vector<16x1x1xf32>
      %broadcast_in_dim3A_318 = vector.broadcast %broadcast_in_dim3A_317 : vector<16x1x1xf32> to vector<16x2x128xf32>
      %select_n3A_319 = arith.select %broadcast_in_dim3A_316, %broadcast_in_dim3A_318, %select_n3A_248 : vector<16x2x128xi1>, vector<16x2x128xf32>
      %broadcast_in_dim3A_320 = vector.shape_cast %eq3A_309 : vector<1x2x128xi1> to vector<1x2x128xi1>
      %broadcast_in_dim3A_321 = vector.broadcast %broadcast_in_dim3A_320 : vector<1x2x128xi1> to vector<16x2x128xi1>
      %broadcast_in_dim3A_322 = vector.shape_cast %broadcast_in_dim3A_276 : vector<16x1x1xf32> to vector<16x1x1xf32>
      %broadcast_in_dim3A_323 = vector.broadcast %broadcast_in_dim3A_322 : vector<16x1x1xf32> to vector<16x2x128xf32>
      %select_n3A_324 = arith.select %broadcast_in_dim3A_321, %broadcast_in_dim3A_323, %select_n3A_253 : vector<16x2x128xi1>, vector<16x2x128xf32>
      scf.yield %min3A_294, %broadcast_in_dim3A_307, %select_n3A_314, %select_n3A_319, %select_n3A_324 : vector<16x32x128xf32>, vector<16x1x1xi32>, vector<16x2x128xf32>, vector<16x2x128xf32>, vector<16x2x128xf32>
    }
    %scan3A_33 = arith.constant 256 : i32
    %swap3A = arith.constant 0 : index
    %swap3A_34 = arith.constant 0 : index
    %swap3A_35 = arith.constant 0 : index
    %swap3A_36 = vector.load %arg3[%swap3A, %swap3A_34, %swap3A_35] : memref<16x2x128xf32, #tpu.memory_space<vmem>>, vector<16x2x128xf32>
    tpu.vector_store %arg3[%swap3A, %swap3A_34, %swap3A_35], %scan3A_32#2 {strides = array<i32>} : memref<16x2x128xf32, #tpu.memory_space<vmem>>, vector<16x2x128xf32>,
    %swap3A_37 = arith.constant 0 : index
    %swap3A_38 = arith.constant 0 : index
    %swap3A_39 = arith.constant 0 : index
    %swap3A_40 = vector.load %arg4[%swap3A_37, %swap3A_38, %swap3A_39] : memref<16x2x128xf32, #tpu.memory_space<vmem>>, vector<16x2x128xf32>
    tpu.vector_store %arg4[%swap3A_37, %swap3A_38, %swap3A_39], %scan3A_32#3 {strides = array<i32>} : memref<16x2x128xf32, #tpu.memory_space<vmem>>, vector<16x2x128xf32>,
    %swap3A_41 = arith.constant 0 : index
    %swap3A_42 = arith.constant 0 : index
    %swap3A_43 = arith.constant 0 : index
    %swap3A_44 = vector.load %arg5[%swap3A_41, %swap3A_42, %swap3A_43] : memref<16x2x128xf32, #tpu.memory_space<vmem>>, vector<16x2x128xf32>
    tpu.vector_store %arg5[%swap3A_41, %swap3A_42, %swap3A_43], %scan3A_32#4 {strides = array<i32>} : memref<16x2x128xf32, #tpu.memory_space<vmem>>, vector<16x2x128xf32>,
    return
  }
}

module attributes {stable_mosaic.version = 14 : i64} {
  func.func @_knn_body(%arg0: i32, %arg1: memref<1x256x8xf32, #tpu.memory_space<vmem>>, %arg2: memref<1x8x4096xf32, #tpu.memory_space<vmem>>, %arg3: memref<1x256x32xi32, #tpu.memory_space<vmem>>) attributes {dimension_semantics = [#tpu.dimension_semantics<arbitrary>], iteration_bounds = array<i64: 16>, scalar_prefetch = 0 : i64, scratch_operands = 0 : i64, tpu.core_type = #tpu.core_type<tc>, window_params = [{transform_indices = @transform_0, window_bounds = array<i64: 1, 256, 8>}, {transform_indices = @transform_1, window_bounds = array<i64: 1, 8, 4096>}, {transform_indices = @transform_2, window_bounds = array<i64: 1, 256, 32>}]} {
    %get3A = arith.constant 0 : index
    %get3A_0 = arith.constant 0 : index
    %get3A_1 = arith.constant 0 : index
    %get3A_2 = vector.load %arg1[%get3A, %get3A_0, %get3A_1] : memref<1x256x8xf32, #tpu.memory_space<vmem>>, vector<1x256x8xf32>
    %get3A_3 = vector.shape_cast %get3A_2 : vector<1x256x8xf32> to vector<256x8xf32>
    %get3A_4 = arith.constant 0 : index
    %get3A_5 = arith.constant 0 : index
    %get3A_6 = arith.constant 0 : index
    %get3A_7 = vector.load %arg2[%get3A_4, %get3A_5, %get3A_6] : memref<1x8x4096xf32, #tpu.memory_space<vmem>>, vector<1x8x4096xf32>
    %get3A_8 = vector.shape_cast %get3A_7 : vector<1x8x4096xf32> to vector<8x4096xf32>
    %mul3A = arith.mulf %get3A_3, %get3A_3 : vector<256x8xf32>
    %reduce_sum3A = arith.constant dense<0.000000e+00> : vector<256xf32>
    %reduce_sum3A_9 = vector.multi_reduction <add>, %mul3A, %reduce_sum3A [1] : vector<256x8xf32> to vector<256xf32>
    %broadcast_in_dim3A = vector.shape_cast %reduce_sum3A_9 : vector<256xf32> to vector<256x1xf32>
    %mul3A_10 = arith.mulf %get3A_8, %get3A_8 : vector<8x4096xf32>
    %reduce_sum3A_11 = arith.constant dense<0.000000e+00> : vector<4096xf32>
    %reduce_sum3A_12 = vector.multi_reduction <add>, %mul3A_10, %reduce_sum3A_11 [0] : vector<8x4096xf32> to vector<4096xf32>
    %broadcast_in_dim3A_13 = vector.shape_cast %reduce_sum3A_12 : vector<4096xf32> to vector<1x4096xf32>
    %add3A = vector.broadcast %broadcast_in_dim3A : vector<256x1xf32> to vector<256x4096xf32>
    %add3A_14 = vector.broadcast %broadcast_in_dim3A_13 : vector<1x4096xf32> to vector<256x4096xf32>
    %add3A_15 = arith.addf %add3A, %add3A_14 : vector<256x4096xf32>
    %dot_general3A = arith.constant dense<0.000000e+00> : vector<256x4096xf32>
    %dot_general3A_16 = tpu.matmul %get3A_3, %get3A_8, %dot_general3A {dimension_numbers = #tpu.dot_dimension_numbers<[1], [0], [0], [1], [0, 0, 1, 1], [], []>, transpose_lhs_hint = false} : vector<256x8xf32>, vector<8x4096xf32>, vector<256x4096xf32> -> vector<256x4096xf32>
    %mul3A_17 = arith.constant 2.000000e+00 : f32
    %mul3A_18 = vector.broadcast %mul3A_17 : f32 to vector<256x4096xf32>
    %mul3A_19 = arith.mulf %mul3A_18, %dot_general3A_16 : vector<256x4096xf32>
    %sub3A = arith.subf %add3A_15, %mul3A_19 : vector<256x4096xf32>
    %iota3A = tpu.iota {dimensions = array<i32: 1>} : vector<256x4096xi32>
    %mul3A_20 = arith.constant 4096 : i32
    %mul3A_21 = arith.muli %arg0, %mul3A_20 : i32
    %reduce_min3A = arith.constant dense<0x7F800000> : vector<256xf32>
    %reduce_min3A_22 = vector.multi_reduction <minimumf>, %sub3A, %reduce_min3A [1] : vector<256x4096xf32> to vector<256xf32>
    %broadcast_in_dim3A_23 = vector.shape_cast %reduce_min3A_22 : vector<256xf32> to vector<256x1xf32>
    %eq3A = vector.broadcast %broadcast_in_dim3A_23 : vector<256x1xf32> to vector<256x4096xf32>
    %eq3A_24 = arith.cmpf oeq, %sub3A, %eq3A : vector<256x4096xf32>
    %jit3A = arith.constant 1073741824 : i32
    %broadcast_in_dim3A_25 = vector.broadcast %jit3A : i32 to vector<256x4096xi32>
    %select_n3A = arith.select %eq3A_24, %iota3A, %broadcast_in_dim3A_25 : vector<256x4096xi1>, vector<256x4096xi32>
    %reduce_min3A_26 = arith.constant dense<2147483647> : vector<256xi32>
    %reduce_min3A_27 = vector.multi_reduction <minsi>, %select_n3A, %reduce_min3A_26 [1] : vector<256x4096xi32> to vector<256xi32>
    %broadcast_in_dim3A_28 = vector.shape_cast %reduce_min3A_27 : vector<256xi32> to vector<256x1xi32>
    %add3A_29 = vector.broadcast %mul3A_21 : i32 to vector<256x1xi32>
    %add3A_30 = arith.addi %broadcast_in_dim3A_28, %add3A_29 : vector<256x1xi32>
    %swap3A = arith.constant 0 : index
    %swap3A_31 = arith.constant 0 : index
    %swap3A_32 = arith.constant 0 : index
    %swap3A_33 = vector.load %arg3[%swap3A, %swap3A_31, %swap3A_32] : memref<1x256x32xi32, #tpu.memory_space<vmem>>, vector<1x256x1xi32>
    %swap3A_34 = vector.shape_cast %swap3A_33 : vector<1x256x1xi32> to vector<256x1xi32>
    %swap3A_35 = vector.shape_cast %add3A_30 : vector<256x1xi32> to vector<1x256x1xi32>
    tpu.vector_store %arg3[%swap3A, %swap3A_31, %swap3A_32], %swap3A_35 {strides = array<i32>} : memref<1x256x32xi32, #tpu.memory_space<vmem>>, vector<1x256x1xi32>,
    %eq3A_36 = vector.broadcast %broadcast_in_dim3A_28 : vector<256x1xi32> to vector<256x4096xi32>
    %eq3A_37 = arith.cmpi eq, %iota3A, %eq3A_36 : vector<256x4096xi32>
    %jit3A_38 = arith.constant 3.000000e+38 : f32
    %broadcast_in_dim3A_39 = vector.broadcast %jit3A_38 : f32 to vector<256x4096xf32>
    %select_n3A_40 = arith.select %eq3A_37, %broadcast_in_dim3A_39, %sub3A : vector<256x4096xi1>, vector<256x4096xf32>
    %reduce_min3A_41 = arith.constant dense<0x7F800000> : vector<256xf32>
    %reduce_min3A_42 = vector.multi_reduction <minimumf>, %select_n3A_40, %reduce_min3A_41 [1] : vector<256x4096xf32> to vector<256xf32>
    %broadcast_in_dim3A_43 = vector.shape_cast %reduce_min3A_42 : vector<256xf32> to vector<256x1xf32>
    %eq3A_44 = vector.broadcast %broadcast_in_dim3A_43 : vector<256x1xf32> to vector<256x4096xf32>
    %eq3A_45 = arith.cmpf oeq, %select_n3A_40, %eq3A_44 : vector<256x4096xf32>
    %jit3A_46 = arith.constant 1073741824 : i32
    %broadcast_in_dim3A_47 = vector.broadcast %jit3A_46 : i32 to vector<256x4096xi32>
    %select_n3A_48 = arith.select %eq3A_45, %iota3A, %broadcast_in_dim3A_47 : vector<256x4096xi1>, vector<256x4096xi32>
    %reduce_min3A_49 = arith.constant dense<2147483647> : vector<256xi32>
    %reduce_min3A_50 = vector.multi_reduction <minsi>, %select_n3A_48, %reduce_min3A_49 [1] : vector<256x4096xi32> to vector<256xi32>
    %broadcast_in_dim3A_51 = vector.shape_cast %reduce_min3A_50 : vector<256xi32> to vector<256x1xi32>
    %add3A_52 = vector.broadcast %mul3A_21 : i32 to vector<256x1xi32>
    %add3A_53 = arith.addi %broadcast_in_dim3A_51, %add3A_52 : vector<256x1xi32>
    %swap3A_54 = arith.constant 0 : index
    %swap3A_55 = arith.constant 0 : index
    %swap3A_56 = arith.constant 1 : index
    %swap3A_57 = vector.load %arg3[%swap3A_54, %swap3A_55, %swap3A_56] : memref<1x256x32xi32, #tpu.memory_space<vmem>>, vector<1x256x1xi32>
    %swap3A_58 = vector.shape_cast %swap3A_57 : vector<1x256x1xi32> to vector<256x1xi32>
    %swap3A_59 = vector.shape_cast %add3A_53 : vector<256x1xi32> to vector<1x256x1xi32>
    tpu.vector_store %arg3[%swap3A_54, %swap3A_55, %swap3A_56], %swap3A_59 {strides = array<i32>} : memref<1x256x32xi32, #tpu.memory_space<vmem>>, vector<1x256x1xi32>,
    %eq3A_60 = vector.broadcast %broadcast_in_dim3A_51 : vector<256x1xi32> to vector<256x4096xi32>
    %eq3A_61 = arith.cmpi eq, %iota3A, %eq3A_60 : vector<256x4096xi32>
    %jit3A_62 = arith.constant 3.000000e+38 : f32
    %broadcast_in_dim3A_63 = vector.broadcast %jit3A_62 : f32 to vector<256x4096xf32>
    %select_n3A_64 = arith.select %eq3A_61, %broadcast_in_dim3A_63, %select_n3A_40 : vector<256x4096xi1>, vector<256x4096xf32>
    %reduce_min3A_65 = arith.constant dense<0x7F800000> : vector<256xf32>
    %reduce_min3A_66 = vector.multi_reduction <minimumf>, %select_n3A_64, %reduce_min3A_65 [1] : vector<256x4096xf32> to vector<256xf32>
    %broadcast_in_dim3A_67 = vector.shape_cast %reduce_min3A_66 : vector<256xf32> to vector<256x1xf32>
    %eq3A_68 = vector.broadcast %broadcast_in_dim3A_67 : vector<256x1xf32> to vector<256x4096xf32>
    %eq3A_69 = arith.cmpf oeq, %select_n3A_64, %eq3A_68 : vector<256x4096xf32>
    %jit3A_70 = arith.constant 1073741824 : i32
    %broadcast_in_dim3A_71 = vector.broadcast %jit3A_70 : i32 to vector<256x4096xi32>
    %select_n3A_72 = arith.select %eq3A_69, %iota3A, %broadcast_in_dim3A_71 : vector<256x4096xi1>, vector<256x4096xi32>
    %reduce_min3A_73 = arith.constant dense<2147483647> : vector<256xi32>
    %reduce_min3A_74 = vector.multi_reduction <minsi>, %select_n3A_72, %reduce_min3A_73 [1] : vector<256x4096xi32> to vector<256xi32>
    %broadcast_in_dim3A_75 = vector.shape_cast %reduce_min3A_74 : vector<256xi32> to vector<256x1xi32>
    %add3A_76 = vector.broadcast %mul3A_21 : i32 to vector<256x1xi32>
    %add3A_77 = arith.addi %broadcast_in_dim3A_75, %add3A_76 : vector<256x1xi32>
    %swap3A_78 = arith.constant 0 : index
    %swap3A_79 = arith.constant 0 : index
    %swap3A_80 = arith.constant 2 : index
    %swap3A_81 = vector.load %arg3[%swap3A_78, %swap3A_79, %swap3A_80] : memref<1x256x32xi32, #tpu.memory_space<vmem>>, vector<1x256x1xi32>
    %swap3A_82 = vector.shape_cast %swap3A_81 : vector<1x256x1xi32> to vector<256x1xi32>
    %swap3A_83 = vector.shape_cast %add3A_77 : vector<256x1xi32> to vector<1x256x1xi32>
    tpu.vector_store %arg3[%swap3A_78, %swap3A_79, %swap3A_80], %swap3A_83 {strides = array<i32>} : memref<1x256x32xi32, #tpu.memory_space<vmem>>, vector<1x256x1xi32>,
    %eq3A_84 = vector.broadcast %broadcast_in_dim3A_75 : vector<256x1xi32> to vector<256x4096xi32>
    %eq3A_85 = arith.cmpi eq, %iota3A, %eq3A_84 : vector<256x4096xi32>
    %jit3A_86 = arith.constant 3.000000e+38 : f32
    %broadcast_in_dim3A_87 = vector.broadcast %jit3A_86 : f32 to vector<256x4096xf32>
    %select_n3A_88 = arith.select %eq3A_85, %broadcast_in_dim3A_87, %select_n3A_64 : vector<256x4096xi1>, vector<256x4096xf32>
    %reduce_min3A_89 = arith.constant dense<0x7F800000> : vector<256xf32>
    %reduce_min3A_90 = vector.multi_reduction <minimumf>, %select_n3A_88, %reduce_min3A_89 [1] : vector<256x4096xf32> to vector<256xf32>
    %broadcast_in_dim3A_91 = vector.shape_cast %reduce_min3A_90 : vector<256xf32> to vector<256x1xf32>
    %eq3A_92 = vector.broadcast %broadcast_in_dim3A_91 : vector<256x1xf32> to vector<256x4096xf32>
    %eq3A_93 = arith.cmpf oeq, %select_n3A_88, %eq3A_92 : vector<256x4096xf32>
    %jit3A_94 = arith.constant 1073741824 : i32
    %broadcast_in_dim3A_95 = vector.broadcast %jit3A_94 : i32 to vector<256x4096xi32>
    %select_n3A_96 = arith.select %eq3A_93, %iota3A, %broadcast_in_dim3A_95 : vector<256x4096xi1>, vector<256x4096xi32>
    %reduce_min3A_97 = arith.constant dense<2147483647> : vector<256xi32>
    %reduce_min3A_98 = vector.multi_reduction <minsi>, %select_n3A_96, %reduce_min3A_97 [1] : vector<256x4096xi32> to vector<256xi32>
    %broadcast_in_dim3A_99 = vector.shape_cast %reduce_min3A_98 : vector<256xi32> to vector<256x1xi32>
    %add3A_100 = vector.broadcast %mul3A_21 : i32 to vector<256x1xi32>
    %add3A_101 = arith.addi %broadcast_in_dim3A_99, %add3A_100 : vector<256x1xi32>
    %swap3A_102 = arith.constant 0 : index
    %swap3A_103 = arith.constant 0 : index
    %swap3A_104 = arith.constant 3 : index
    %swap3A_105 = vector.load %arg3[%swap3A_102, %swap3A_103, %swap3A_104] : memref<1x256x32xi32, #tpu.memory_space<vmem>>, vector<1x256x1xi32>
    %swap3A_106 = vector.shape_cast %swap3A_105 : vector<1x256x1xi32> to vector<256x1xi32>
    %swap3A_107 = vector.shape_cast %add3A_101 : vector<256x1xi32> to vector<1x256x1xi32>
    tpu.vector_store %arg3[%swap3A_102, %swap3A_103, %swap3A_104], %swap3A_107 {strides = array<i32>} : memref<1x256x32xi32, #tpu.memory_space<vmem>>, vector<1x256x1xi32>,
    %eq3A_108 = vector.broadcast %broadcast_in_dim3A_99 : vector<256x1xi32> to vector<256x4096xi32>
    %eq3A_109 = arith.cmpi eq, %iota3A, %eq3A_108 : vector<256x4096xi32>
    %jit3A_110 = arith.constant 3.000000e+38 : f32
    %broadcast_in_dim3A_111 = vector.broadcast %jit3A_110 : f32 to vector<256x4096xf32>
    %select_n3A_112 = arith.select %eq3A_109, %broadcast_in_dim3A_111, %select_n3A_88 : vector<256x4096xi1>, vector<256x4096xf32>
    %reduce_min3A_113 = arith.constant dense<0x7F800000> : vector<256xf32>
    %reduce_min3A_114 = vector.multi_reduction <minimumf>, %select_n3A_112, %reduce_min3A_113 [1] : vector<256x4096xf32> to vector<256xf32>
    %broadcast_in_dim3A_115 = vector.shape_cast %reduce_min3A_114 : vector<256xf32> to vector<256x1xf32>
    %eq3A_116 = vector.broadcast %broadcast_in_dim3A_115 : vector<256x1xf32> to vector<256x4096xf32>
    %eq3A_117 = arith.cmpf oeq, %select_n3A_112, %eq3A_116 : vector<256x4096xf32>
    %jit3A_118 = arith.constant 1073741824 : i32
    %broadcast_in_dim3A_119 = vector.broadcast %jit3A_118 : i32 to vector<256x4096xi32>
    %select_n3A_120 = arith.select %eq3A_117, %iota3A, %broadcast_in_dim3A_119 : vector<256x4096xi1>, vector<256x4096xi32>
    %reduce_min3A_121 = arith.constant dense<2147483647> : vector<256xi32>
    %reduce_min3A_122 = vector.multi_reduction <minsi>, %select_n3A_120, %reduce_min3A_121 [1] : vector<256x4096xi32> to vector<256xi32>
    %broadcast_in_dim3A_123 = vector.shape_cast %reduce_min3A_122 : vector<256xi32> to vector<256x1xi32>
    %add3A_124 = vector.broadcast %mul3A_21 : i32 to vector<256x1xi32>
    %add3A_125 = arith.addi %broadcast_in_dim3A_123, %add3A_124 : vector<256x1xi32>
    %swap3A_126 = arith.constant 0 : index
    %swap3A_127 = arith.constant 0 : index
    %swap3A_128 = arith.constant 4 : index
    %swap3A_129 = vector.load %arg3[%swap3A_126, %swap3A_127, %swap3A_128] : memref<1x256x32xi32, #tpu.memory_space<vmem>>, vector<1x256x1xi32>
    %swap3A_130 = vector.shape_cast %swap3A_129 : vector<1x256x1xi32> to vector<256x1xi32>
    %swap3A_131 = vector.shape_cast %add3A_125 : vector<256x1xi32> to vector<1x256x1xi32>
    tpu.vector_store %arg3[%swap3A_126, %swap3A_127, %swap3A_128], %swap3A_131 {strides = array<i32>} : memref<1x256x32xi32, #tpu.memory_space<vmem>>, vector<1x256x1xi32>,
    %eq3A_132 = vector.broadcast %broadcast_in_dim3A_123 : vector<256x1xi32> to vector<256x4096xi32>
    %eq3A_133 = arith.cmpi eq, %iota3A, %eq3A_132 : vector<256x4096xi32>
    %jit3A_134 = arith.constant 3.000000e+38 : f32
    %broadcast_in_dim3A_135 = vector.broadcast %jit3A_134 : f32 to vector<256x4096xf32>
    %select_n3A_136 = arith.select %eq3A_133, %broadcast_in_dim3A_135, %select_n3A_112 : vector<256x4096xi1>, vector<256x4096xf32>
    %reduce_min3A_137 = arith.constant dense<0x7F800000> : vector<256xf32>
    %reduce_min3A_138 = vector.multi_reduction <minimumf>, %select_n3A_136, %reduce_min3A_137 [1] : vector<256x4096xf32> to vector<256xf32>
    %broadcast_in_dim3A_139 = vector.shape_cast %reduce_min3A_138 : vector<256xf32> to vector<256x1xf32>
    %eq3A_140 = vector.broadcast %broadcast_in_dim3A_139 : vector<256x1xf32> to vector<256x4096xf32>
    %eq3A_141 = arith.cmpf oeq, %select_n3A_136, %eq3A_140 : vector<256x4096xf32>
    %jit3A_142 = arith.constant 1073741824 : i32
    %broadcast_in_dim3A_143 = vector.broadcast %jit3A_142 : i32 to vector<256x4096xi32>
    %select_n3A_144 = arith.select %eq3A_141, %iota3A, %broadcast_in_dim3A_143 : vector<256x4096xi1>, vector<256x4096xi32>
    %reduce_min3A_145 = arith.constant dense<2147483647> : vector<256xi32>
    %reduce_min3A_146 = vector.multi_reduction <minsi>, %select_n3A_144, %reduce_min3A_145 [1] : vector<256x4096xi32> to vector<256xi32>
    %broadcast_in_dim3A_147 = vector.shape_cast %reduce_min3A_146 : vector<256xi32> to vector<256x1xi32>
    %add3A_148 = vector.broadcast %mul3A_21 : i32 to vector<256x1xi32>
    %add3A_149 = arith.addi %broadcast_in_dim3A_147, %add3A_148 : vector<256x1xi32>
    %swap3A_150 = arith.constant 0 : index
    %swap3A_151 = arith.constant 0 : index
    %swap3A_152 = arith.constant 5 : index
    %swap3A_153 = vector.load %arg3[%swap3A_150, %swap3A_151, %swap3A_152] : memref<1x256x32xi32, #tpu.memory_space<vmem>>, vector<1x256x1xi32>
    %swap3A_154 = vector.shape_cast %swap3A_153 : vector<1x256x1xi32> to vector<256x1xi32>
    %swap3A_155 = vector.shape_cast %add3A_149 : vector<256x1xi32> to vector<1x256x1xi32>
    tpu.vector_store %arg3[%swap3A_150, %swap3A_151, %swap3A_152], %swap3A_155 {strides = array<i32>} : memref<1x256x32xi32, #tpu.memory_space<vmem>>, vector<1x256x1xi32>,
    %eq3A_156 = vector.broadcast %broadcast_in_dim3A_147 : vector<256x1xi32> to vector<256x4096xi32>
    %eq3A_157 = arith.cmpi eq, %iota3A, %eq3A_156 : vector<256x4096xi32>
    %jit3A_158 = arith.constant 3.000000e+38 : f32
    %broadcast_in_dim3A_159 = vector.broadcast %jit3A_158 : f32 to vector<256x4096xf32>
    %select_n3A_160 = arith.select %eq3A_157, %broadcast_in_dim3A_159, %select_n3A_136 : vector<256x4096xi1>, vector<256x4096xf32>
    %reduce_min3A_161 = arith.constant dense<0x7F800000> : vector<256xf32>
    %reduce_min3A_162 = vector.multi_reduction <minimumf>, %select_n3A_160, %reduce_min3A_161 [1] : vector<256x4096xf32> to vector<256xf32>
    %broadcast_in_dim3A_163 = vector.shape_cast %reduce_min3A_162 : vector<256xf32> to vector<256x1xf32>
    %eq3A_164 = vector.broadcast %broadcast_in_dim3A_163 : vector<256x1xf32> to vector<256x4096xf32>
    %eq3A_165 = arith.cmpf oeq, %select_n3A_160, %eq3A_164 : vector<256x4096xf32>
    %jit3A_166 = arith.constant 1073741824 : i32
    %broadcast_in_dim3A_167 = vector.broadcast %jit3A_166 : i32 to vector<256x4096xi32>
    %select_n3A_168 = arith.select %eq3A_165, %iota3A, %broadcast_in_dim3A_167 : vector<256x4096xi1>, vector<256x4096xi32>
    %reduce_min3A_169 = arith.constant dense<2147483647> : vector<256xi32>
    %reduce_min3A_170 = vector.multi_reduction <minsi>, %select_n3A_168, %reduce_min3A_169 [1] : vector<256x4096xi32> to vector<256xi32>
    %broadcast_in_dim3A_171 = vector.shape_cast %reduce_min3A_170 : vector<256xi32> to vector<256x1xi32>
    %add3A_172 = vector.broadcast %mul3A_21 : i32 to vector<256x1xi32>
    %add3A_173 = arith.addi %broadcast_in_dim3A_171, %add3A_172 : vector<256x1xi32>
    %swap3A_174 = arith.constant 0 : index
    %swap3A_175 = arith.constant 0 : index
    %swap3A_176 = arith.constant 6 : index
    %swap3A_177 = vector.load %arg3[%swap3A_174, %swap3A_175, %swap3A_176] : memref<1x256x32xi32, #tpu.memory_space<vmem>>, vector<1x256x1xi32>
    %swap3A_178 = vector.shape_cast %swap3A_177 : vector<1x256x1xi32> to vector<256x1xi32>
    %swap3A_179 = vector.shape_cast %add3A_173 : vector<256x1xi32> to vector<1x256x1xi32>
    tpu.vector_store %arg3[%swap3A_174, %swap3A_175, %swap3A_176], %swap3A_179 {strides = array<i32>} : memref<1x256x32xi32, #tpu.memory_space<vmem>>, vector<1x256x1xi32>,
    %eq3A_180 = vector.broadcast %broadcast_in_dim3A_171 : vector<256x1xi32> to vector<256x4096xi32>
    %eq3A_181 = arith.cmpi eq, %iota3A, %eq3A_180 : vector<256x4096xi32>
    %jit3A_182 = arith.constant 3.000000e+38 : f32
    %broadcast_in_dim3A_183 = vector.broadcast %jit3A_182 : f32 to vector<256x4096xf32>
    %select_n3A_184 = arith.select %eq3A_181, %broadcast_in_dim3A_183, %select_n3A_160 : vector<256x4096xi1>, vector<256x4096xf32>
    %reduce_min3A_185 = arith.constant dense<0x7F800000> : vector<256xf32>
    %reduce_min3A_186 = vector.multi_reduction <minimumf>, %select_n3A_184, %reduce_min3A_185 [1] : vector<256x4096xf32> to vector<256xf32>
    %broadcast_in_dim3A_187 = vector.shape_cast %reduce_min3A_186 : vector<256xf32> to vector<256x1xf32>
    %eq3A_188 = vector.broadcast %broadcast_in_dim3A_187 : vector<256x1xf32> to vector<256x4096xf32>
    %eq3A_189 = arith.cmpf oeq, %select_n3A_184, %eq3A_188 : vector<256x4096xf32>
    %jit3A_190 = arith.constant 1073741824 : i32
    %broadcast_in_dim3A_191 = vector.broadcast %jit3A_190 : i32 to vector<256x4096xi32>
    %select_n3A_192 = arith.select %eq3A_189, %iota3A, %broadcast_in_dim3A_191 : vector<256x4096xi1>, vector<256x4096xi32>
    %reduce_min3A_193 = arith.constant dense<2147483647> : vector<256xi32>
    %reduce_min3A_194 = vector.multi_reduction <minsi>, %select_n3A_192, %reduce_min3A_193 [1] : vector<256x4096xi32> to vector<256xi32>
    %broadcast_in_dim3A_195 = vector.shape_cast %reduce_min3A_194 : vector<256xi32> to vector<256x1xi32>
    %add3A_196 = vector.broadcast %mul3A_21 : i32 to vector<256x1xi32>
    %add3A_197 = arith.addi %broadcast_in_dim3A_195, %add3A_196 : vector<256x1xi32>
    %swap3A_198 = arith.constant 0 : index
    %swap3A_199 = arith.constant 0 : index
    %swap3A_200 = arith.constant 7 : index
    %swap3A_201 = vector.load %arg3[%swap3A_198, %swap3A_199, %swap3A_200] : memref<1x256x32xi32, #tpu.memory_space<vmem>>, vector<1x256x1xi32>
    %swap3A_202 = vector.shape_cast %swap3A_201 : vector<1x256x1xi32> to vector<256x1xi32>
    %swap3A_203 = vector.shape_cast %add3A_197 : vector<256x1xi32> to vector<1x256x1xi32>
    tpu.vector_store %arg3[%swap3A_198, %swap3A_199, %swap3A_200], %swap3A_203 {strides = array<i32>} : memref<1x256x32xi32, #tpu.memory_space<vmem>>, vector<1x256x1xi32>,
    %eq3A_204 = vector.broadcast %broadcast_in_dim3A_195 : vector<256x1xi32> to vector<256x4096xi32>
    %eq3A_205 = arith.cmpi eq, %iota3A, %eq3A_204 : vector<256x4096xi32>
    %jit3A_206 = arith.constant 3.000000e+38 : f32
    %broadcast_in_dim3A_207 = vector.broadcast %jit3A_206 : f32 to vector<256x4096xf32>
    %select_n3A_208 = arith.select %eq3A_205, %broadcast_in_dim3A_207, %select_n3A_184 : vector<256x4096xi1>, vector<256x4096xf32>
    %reduce_min3A_209 = arith.constant dense<0x7F800000> : vector<256xf32>
    %reduce_min3A_210 = vector.multi_reduction <minimumf>, %select_n3A_208, %reduce_min3A_209 [1] : vector<256x4096xf32> to vector<256xf32>
    %broadcast_in_dim3A_211 = vector.shape_cast %reduce_min3A_210 : vector<256xf32> to vector<256x1xf32>
    %eq3A_212 = vector.broadcast %broadcast_in_dim3A_211 : vector<256x1xf32> to vector<256x4096xf32>
    %eq3A_213 = arith.cmpf oeq, %select_n3A_208, %eq3A_212 : vector<256x4096xf32>
    %jit3A_214 = arith.constant 1073741824 : i32
    %broadcast_in_dim3A_215 = vector.broadcast %jit3A_214 : i32 to vector<256x4096xi32>
    %select_n3A_216 = arith.select %eq3A_213, %iota3A, %broadcast_in_dim3A_215 : vector<256x4096xi1>, vector<256x4096xi32>
    %reduce_min3A_217 = arith.constant dense<2147483647> : vector<256xi32>
    %reduce_min3A_218 = vector.multi_reduction <minsi>, %select_n3A_216, %reduce_min3A_217 [1] : vector<256x4096xi32> to vector<256xi32>
    %broadcast_in_dim3A_219 = vector.shape_cast %reduce_min3A_218 : vector<256xi32> to vector<256x1xi32>
    %add3A_220 = vector.broadcast %mul3A_21 : i32 to vector<256x1xi32>
    %add3A_221 = arith.addi %broadcast_in_dim3A_219, %add3A_220 : vector<256x1xi32>
    %swap3A_222 = arith.constant 0 : index
    %swap3A_223 = arith.constant 0 : index
    %swap3A_224 = arith.constant 8 : index
    %swap3A_225 = vector.load %arg3[%swap3A_222, %swap3A_223, %swap3A_224] : memref<1x256x32xi32, #tpu.memory_space<vmem>>, vector<1x256x1xi32>
    %swap3A_226 = vector.shape_cast %swap3A_225 : vector<1x256x1xi32> to vector<256x1xi32>
    %swap3A_227 = vector.shape_cast %add3A_221 : vector<256x1xi32> to vector<1x256x1xi32>
    tpu.vector_store %arg3[%swap3A_222, %swap3A_223, %swap3A_224], %swap3A_227 {strides = array<i32>} : memref<1x256x32xi32, #tpu.memory_space<vmem>>, vector<1x256x1xi32>,
    %eq3A_228 = vector.broadcast %broadcast_in_dim3A_219 : vector<256x1xi32> to vector<256x4096xi32>
    %eq3A_229 = arith.cmpi eq, %iota3A, %eq3A_228 : vector<256x4096xi32>
    %jit3A_230 = arith.constant 3.000000e+38 : f32
    %broadcast_in_dim3A_231 = vector.broadcast %jit3A_230 : f32 to vector<256x4096xf32>
    %select_n3A_232 = arith.select %eq3A_229, %broadcast_in_dim3A_231, %select_n3A_208 : vector<256x4096xi1>, vector<256x4096xf32>
    %reduce_min3A_233 = arith.constant dense<0x7F800000> : vector<256xf32>
    %reduce_min3A_234 = vector.multi_reduction <minimumf>, %select_n3A_232, %reduce_min3A_233 [1] : vector<256x4096xf32> to vector<256xf32>
    %broadcast_in_dim3A_235 = vector.shape_cast %reduce_min3A_234 : vector<256xf32> to vector<256x1xf32>
    %eq3A_236 = vector.broadcast %broadcast_in_dim3A_235 : vector<256x1xf32> to vector<256x4096xf32>
    %eq3A_237 = arith.cmpf oeq, %select_n3A_232, %eq3A_236 : vector<256x4096xf32>
    %jit3A_238 = arith.constant 1073741824 : i32
    %broadcast_in_dim3A_239 = vector.broadcast %jit3A_238 : i32 to vector<256x4096xi32>
    %select_n3A_240 = arith.select %eq3A_237, %iota3A, %broadcast_in_dim3A_239 : vector<256x4096xi1>, vector<256x4096xi32>
    %reduce_min3A_241 = arith.constant dense<2147483647> : vector<256xi32>
    %reduce_min3A_242 = vector.multi_reduction <minsi>, %select_n3A_240, %reduce_min3A_241 [1] : vector<256x4096xi32> to vector<256xi32>
    %broadcast_in_dim3A_243 = vector.shape_cast %reduce_min3A_242 : vector<256xi32> to vector<256x1xi32>
    %add3A_244 = vector.broadcast %mul3A_21 : i32 to vector<256x1xi32>
    %add3A_245 = arith.addi %broadcast_in_dim3A_243, %add3A_244 : vector<256x1xi32>
    %swap3A_246 = arith.constant 0 : index
    %swap3A_247 = arith.constant 0 : index
    %swap3A_248 = arith.constant 9 : index
    %swap3A_249 = vector.load %arg3[%swap3A_246, %swap3A_247, %swap3A_248] : memref<1x256x32xi32, #tpu.memory_space<vmem>>, vector<1x256x1xi32>
    %swap3A_250 = vector.shape_cast %swap3A_249 : vector<1x256x1xi32> to vector<256x1xi32>
    %swap3A_251 = vector.shape_cast %add3A_245 : vector<256x1xi32> to vector<1x256x1xi32>
    tpu.vector_store %arg3[%swap3A_246, %swap3A_247, %swap3A_248], %swap3A_251 {strides = array<i32>} : memref<1x256x32xi32, #tpu.memory_space<vmem>>, vector<1x256x1xi32>,
    %eq3A_252 = vector.broadcast %broadcast_in_dim3A_243 : vector<256x1xi32> to vector<256x4096xi32>
    %eq3A_253 = arith.cmpi eq, %iota3A, %eq3A_252 : vector<256x4096xi32>
    %jit3A_254 = arith.constant 3.000000e+38 : f32
    %broadcast_in_dim3A_255 = vector.broadcast %jit3A_254 : f32 to vector<256x4096xf32>
    %select_n3A_256 = arith.select %eq3A_253, %broadcast_in_dim3A_255, %select_n3A_232 : vector<256x4096xi1>, vector<256x4096xf32>
    %reduce_min3A_257 = arith.constant dense<0x7F800000> : vector<256xf32>
    %reduce_min3A_258 = vector.multi_reduction <minimumf>, %select_n3A_256, %reduce_min3A_257 [1] : vector<256x4096xf32> to vector<256xf32>
    %broadcast_in_dim3A_259 = vector.shape_cast %reduce_min3A_258 : vector<256xf32> to vector<256x1xf32>
    %eq3A_260 = vector.broadcast %broadcast_in_dim3A_259 : vector<256x1xf32> to vector<256x4096xf32>
    %eq3A_261 = arith.cmpf oeq, %select_n3A_256, %eq3A_260 : vector<256x4096xf32>
    %jit3A_262 = arith.constant 1073741824 : i32
    %broadcast_in_dim3A_263 = vector.broadcast %jit3A_262 : i32 to vector<256x4096xi32>
    %select_n3A_264 = arith.select %eq3A_261, %iota3A, %broadcast_in_dim3A_263 : vector<256x4096xi1>, vector<256x4096xi32>
    %reduce_min3A_265 = arith.constant dense<2147483647> : vector<256xi32>
    %reduce_min3A_266 = vector.multi_reduction <minsi>, %select_n3A_264, %reduce_min3A_265 [1] : vector<256x4096xi32> to vector<256xi32>
    %broadcast_in_dim3A_267 = vector.shape_cast %reduce_min3A_266 : vector<256xi32> to vector<256x1xi32>
    %add3A_268 = vector.broadcast %mul3A_21 : i32 to vector<256x1xi32>
    %add3A_269 = arith.addi %broadcast_in_dim3A_267, %add3A_268 : vector<256x1xi32>
    %swap3A_270 = arith.constant 0 : index
    %swap3A_271 = arith.constant 0 : index
    %swap3A_272 = arith.constant 10 : index
    %swap3A_273 = vector.load %arg3[%swap3A_270, %swap3A_271, %swap3A_272] : memref<1x256x32xi32, #tpu.memory_space<vmem>>, vector<1x256x1xi32>
    %swap3A_274 = vector.shape_cast %swap3A_273 : vector<1x256x1xi32> to vector<256x1xi32>
    %swap3A_275 = vector.shape_cast %add3A_269 : vector<256x1xi32> to vector<1x256x1xi32>
    tpu.vector_store %arg3[%swap3A_270, %swap3A_271, %swap3A_272], %swap3A_275 {strides = array<i32>} : memref<1x256x32xi32, #tpu.memory_space<vmem>>, vector<1x256x1xi32>,
    %eq3A_276 = vector.broadcast %broadcast_in_dim3A_267 : vector<256x1xi32> to vector<256x4096xi32>
    %eq3A_277 = arith.cmpi eq, %iota3A, %eq3A_276 : vector<256x4096xi32>
    %jit3A_278 = arith.constant 3.000000e+38 : f32
    %broadcast_in_dim3A_279 = vector.broadcast %jit3A_278 : f32 to vector<256x4096xf32>
    %select_n3A_280 = arith.select %eq3A_277, %broadcast_in_dim3A_279, %select_n3A_256 : vector<256x4096xi1>, vector<256x4096xf32>
    %reduce_min3A_281 = arith.constant dense<0x7F800000> : vector<256xf32>
    %reduce_min3A_282 = vector.multi_reduction <minimumf>, %select_n3A_280, %reduce_min3A_281 [1] : vector<256x4096xf32> to vector<256xf32>
    %broadcast_in_dim3A_283 = vector.shape_cast %reduce_min3A_282 : vector<256xf32> to vector<256x1xf32>
    %eq3A_284 = vector.broadcast %broadcast_in_dim3A_283 : vector<256x1xf32> to vector<256x4096xf32>
    %eq3A_285 = arith.cmpf oeq, %select_n3A_280, %eq3A_284 : vector<256x4096xf32>
    %jit3A_286 = arith.constant 1073741824 : i32
    %broadcast_in_dim3A_287 = vector.broadcast %jit3A_286 : i32 to vector<256x4096xi32>
    %select_n3A_288 = arith.select %eq3A_285, %iota3A, %broadcast_in_dim3A_287 : vector<256x4096xi1>, vector<256x4096xi32>
    %reduce_min3A_289 = arith.constant dense<2147483647> : vector<256xi32>
    %reduce_min3A_290 = vector.multi_reduction <minsi>, %select_n3A_288, %reduce_min3A_289 [1] : vector<256x4096xi32> to vector<256xi32>
    %broadcast_in_dim3A_291 = vector.shape_cast %reduce_min3A_290 : vector<256xi32> to vector<256x1xi32>
    %add3A_292 = vector.broadcast %mul3A_21 : i32 to vector<256x1xi32>
    %add3A_293 = arith.addi %broadcast_in_dim3A_291, %add3A_292 : vector<256x1xi32>
    %swap3A_294 = arith.constant 0 : index
    %swap3A_295 = arith.constant 0 : index
    %swap3A_296 = arith.constant 11 : index
    %swap3A_297 = vector.load %arg3[%swap3A_294, %swap3A_295, %swap3A_296] : memref<1x256x32xi32, #tpu.memory_space<vmem>>, vector<1x256x1xi32>
    %swap3A_298 = vector.shape_cast %swap3A_297 : vector<1x256x1xi32> to vector<256x1xi32>
    %swap3A_299 = vector.shape_cast %add3A_293 : vector<256x1xi32> to vector<1x256x1xi32>
    tpu.vector_store %arg3[%swap3A_294, %swap3A_295, %swap3A_296], %swap3A_299 {strides = array<i32>} : memref<1x256x32xi32, #tpu.memory_space<vmem>>, vector<1x256x1xi32>,
    %eq3A_300 = vector.broadcast %broadcast_in_dim3A_291 : vector<256x1xi32> to vector<256x4096xi32>
    %eq3A_301 = arith.cmpi eq, %iota3A, %eq3A_300 : vector<256x4096xi32>
    %jit3A_302 = arith.constant 3.000000e+38 : f32
    %broadcast_in_dim3A_303 = vector.broadcast %jit3A_302 : f32 to vector<256x4096xf32>
    %select_n3A_304 = arith.select %eq3A_301, %broadcast_in_dim3A_303, %select_n3A_280 : vector<256x4096xi1>, vector<256x4096xf32>
    %reduce_min3A_305 = arith.constant dense<0x7F800000> : vector<256xf32>
    %reduce_min3A_306 = vector.multi_reduction <minimumf>, %select_n3A_304, %reduce_min3A_305 [1] : vector<256x4096xf32> to vector<256xf32>
    %broadcast_in_dim3A_307 = vector.shape_cast %reduce_min3A_306 : vector<256xf32> to vector<256x1xf32>
    %eq3A_308 = vector.broadcast %broadcast_in_dim3A_307 : vector<256x1xf32> to vector<256x4096xf32>
    %eq3A_309 = arith.cmpf oeq, %select_n3A_304, %eq3A_308 : vector<256x4096xf32>
    %jit3A_310 = arith.constant 1073741824 : i32
    %broadcast_in_dim3A_311 = vector.broadcast %jit3A_310 : i32 to vector<256x4096xi32>
    %select_n3A_312 = arith.select %eq3A_309, %iota3A, %broadcast_in_dim3A_311 : vector<256x4096xi1>, vector<256x4096xi32>
    %reduce_min3A_313 = arith.constant dense<2147483647> : vector<256xi32>
    %reduce_min3A_314 = vector.multi_reduction <minsi>, %select_n3A_312, %reduce_min3A_313 [1] : vector<256x4096xi32> to vector<256xi32>
    %broadcast_in_dim3A_315 = vector.shape_cast %reduce_min3A_314 : vector<256xi32> to vector<256x1xi32>
    %add3A_316 = vector.broadcast %mul3A_21 : i32 to vector<256x1xi32>
    %add3A_317 = arith.addi %broadcast_in_dim3A_315, %add3A_316 : vector<256x1xi32>
    %swap3A_318 = arith.constant 0 : index
    %swap3A_319 = arith.constant 0 : index
    %swap3A_320 = arith.constant 12 : index
    %swap3A_321 = vector.load %arg3[%swap3A_318, %swap3A_319, %swap3A_320] : memref<1x256x32xi32, #tpu.memory_space<vmem>>, vector<1x256x1xi32>
    %swap3A_322 = vector.shape_cast %swap3A_321 : vector<1x256x1xi32> to vector<256x1xi32>
    %swap3A_323 = vector.shape_cast %add3A_317 : vector<256x1xi32> to vector<1x256x1xi32>
    tpu.vector_store %arg3[%swap3A_318, %swap3A_319, %swap3A_320], %swap3A_323 {strides = array<i32>} : memref<1x256x32xi32, #tpu.memory_space<vmem>>, vector<1x256x1xi32>,
    %eq3A_324 = vector.broadcast %broadcast_in_dim3A_315 : vector<256x1xi32> to vector<256x4096xi32>
    %eq3A_325 = arith.cmpi eq, %iota3A, %eq3A_324 : vector<256x4096xi32>
    %jit3A_326 = arith.constant 3.000000e+38 : f32
    %broadcast_in_dim3A_327 = vector.broadcast %jit3A_326 : f32 to vector<256x4096xf32>
    %select_n3A_328 = arith.select %eq3A_325, %broadcast_in_dim3A_327, %select_n3A_304 : vector<256x4096xi1>, vector<256x4096xf32>
    %reduce_min3A_329 = arith.constant dense<0x7F800000> : vector<256xf32>
    %reduce_min3A_330 = vector.multi_reduction <minimumf>, %select_n3A_328, %reduce_min3A_329 [1] : vector<256x4096xf32> to vector<256xf32>
    %broadcast_in_dim3A_331 = vector.shape_cast %reduce_min3A_330 : vector<256xf32> to vector<256x1xf32>
    %eq3A_332 = vector.broadcast %broadcast_in_dim3A_331 : vector<256x1xf32> to vector<256x4096xf32>
    %eq3A_333 = arith.cmpf oeq, %select_n3A_328, %eq3A_332 : vector<256x4096xf32>
    %jit3A_334 = arith.constant 1073741824 : i32
    %broadcast_in_dim3A_335 = vector.broadcast %jit3A_334 : i32 to vector<256x4096xi32>
    %select_n3A_336 = arith.select %eq3A_333, %iota3A, %broadcast_in_dim3A_335 : vector<256x4096xi1>, vector<256x4096xi32>
    %reduce_min3A_337 = arith.constant dense<2147483647> : vector<256xi32>
    %reduce_min3A_338 = vector.multi_reduction <minsi>, %select_n3A_336, %reduce_min3A_337 [1] : vector<256x4096xi32> to vector<256xi32>
    %broadcast_in_dim3A_339 = vector.shape_cast %reduce_min3A_338 : vector<256xi32> to vector<256x1xi32>
    %add3A_340 = vector.broadcast %mul3A_21 : i32 to vector<256x1xi32>
    %add3A_341 = arith.addi %broadcast_in_dim3A_339, %add3A_340 : vector<256x1xi32>
    %swap3A_342 = arith.constant 0 : index
    %swap3A_343 = arith.constant 0 : index
    %swap3A_344 = arith.constant 13 : index
    %swap3A_345 = vector.load %arg3[%swap3A_342, %swap3A_343, %swap3A_344] : memref<1x256x32xi32, #tpu.memory_space<vmem>>, vector<1x256x1xi32>
    %swap3A_346 = vector.shape_cast %swap3A_345 : vector<1x256x1xi32> to vector<256x1xi32>
    %swap3A_347 = vector.shape_cast %add3A_341 : vector<256x1xi32> to vector<1x256x1xi32>
    tpu.vector_store %arg3[%swap3A_342, %swap3A_343, %swap3A_344], %swap3A_347 {strides = array<i32>} : memref<1x256x32xi32, #tpu.memory_space<vmem>>, vector<1x256x1xi32>,
    %eq3A_348 = vector.broadcast %broadcast_in_dim3A_339 : vector<256x1xi32> to vector<256x4096xi32>
    %eq3A_349 = arith.cmpi eq, %iota3A, %eq3A_348 : vector<256x4096xi32>
    %jit3A_350 = arith.constant 3.000000e+38 : f32
    %broadcast_in_dim3A_351 = vector.broadcast %jit3A_350 : f32 to vector<256x4096xf32>
    %select_n3A_352 = arith.select %eq3A_349, %broadcast_in_dim3A_351, %select_n3A_328 : vector<256x4096xi1>, vector<256x4096xf32>
    %reduce_min3A_353 = arith.constant dense<0x7F800000> : vector<256xf32>
    %reduce_min3A_354 = vector.multi_reduction <minimumf>, %select_n3A_352, %reduce_min3A_353 [1] : vector<256x4096xf32> to vector<256xf32>
    %broadcast_in_dim3A_355 = vector.shape_cast %reduce_min3A_354 : vector<256xf32> to vector<256x1xf32>
    %eq3A_356 = vector.broadcast %broadcast_in_dim3A_355 : vector<256x1xf32> to vector<256x4096xf32>
    %eq3A_357 = arith.cmpf oeq, %select_n3A_352, %eq3A_356 : vector<256x4096xf32>
    %jit3A_358 = arith.constant 1073741824 : i32
    %broadcast_in_dim3A_359 = vector.broadcast %jit3A_358 : i32 to vector<256x4096xi32>
    %select_n3A_360 = arith.select %eq3A_357, %iota3A, %broadcast_in_dim3A_359 : vector<256x4096xi1>, vector<256x4096xi32>
    %reduce_min3A_361 = arith.constant dense<2147483647> : vector<256xi32>
    %reduce_min3A_362 = vector.multi_reduction <minsi>, %select_n3A_360, %reduce_min3A_361 [1] : vector<256x4096xi32> to vector<256xi32>
    %broadcast_in_dim3A_363 = vector.shape_cast %reduce_min3A_362 : vector<256xi32> to vector<256x1xi32>
    %add3A_364 = vector.broadcast %mul3A_21 : i32 to vector<256x1xi32>
    %add3A_365 = arith.addi %broadcast_in_dim3A_363, %add3A_364 : vector<256x1xi32>
    %swap3A_366 = arith.constant 0 : index
    %swap3A_367 = arith.constant 0 : index
    %swap3A_368 = arith.constant 14 : index
    %swap3A_369 = vector.load %arg3[%swap3A_366, %swap3A_367, %swap3A_368] : memref<1x256x32xi32, #tpu.memory_space<vmem>>, vector<1x256x1xi32>
    %swap3A_370 = vector.shape_cast %swap3A_369 : vector<1x256x1xi32> to vector<256x1xi32>
    %swap3A_371 = vector.shape_cast %add3A_365 : vector<256x1xi32> to vector<1x256x1xi32>
    tpu.vector_store %arg3[%swap3A_366, %swap3A_367, %swap3A_368], %swap3A_371 {strides = array<i32>} : memref<1x256x32xi32, #tpu.memory_space<vmem>>, vector<1x256x1xi32>,
    %eq3A_372 = vector.broadcast %broadcast_in_dim3A_363 : vector<256x1xi32> to vector<256x4096xi32>
    %eq3A_373 = arith.cmpi eq, %iota3A, %eq3A_372 : vector<256x4096xi32>
    %jit3A_374 = arith.constant 3.000000e+38 : f32
    %broadcast_in_dim3A_375 = vector.broadcast %jit3A_374 : f32 to vector<256x4096xf32>
    %select_n3A_376 = arith.select %eq3A_373, %broadcast_in_dim3A_375, %select_n3A_352 : vector<256x4096xi1>, vector<256x4096xf32>
    %reduce_min3A_377 = arith.constant dense<0x7F800000> : vector<256xf32>
    %reduce_min3A_378 = vector.multi_reduction <minimumf>, %select_n3A_376, %reduce_min3A_377 [1] : vector<256x4096xf32> to vector<256xf32>
    %broadcast_in_dim3A_379 = vector.shape_cast %reduce_min3A_378 : vector<256xf32> to vector<256x1xf32>
    %eq3A_380 = vector.broadcast %broadcast_in_dim3A_379 : vector<256x1xf32> to vector<256x4096xf32>
    %eq3A_381 = arith.cmpf oeq, %select_n3A_376, %eq3A_380 : vector<256x4096xf32>
    %jit3A_382 = arith.constant 1073741824 : i32
    %broadcast_in_dim3A_383 = vector.broadcast %jit3A_382 : i32 to vector<256x4096xi32>
    %select_n3A_384 = arith.select %eq3A_381, %iota3A, %broadcast_in_dim3A_383 : vector<256x4096xi1>, vector<256x4096xi32>
    %reduce_min3A_385 = arith.constant dense<2147483647> : vector<256xi32>
    %reduce_min3A_386 = vector.multi_reduction <minsi>, %select_n3A_384, %reduce_min3A_385 [1] : vector<256x4096xi32> to vector<256xi32>
    %broadcast_in_dim3A_387 = vector.shape_cast %reduce_min3A_386 : vector<256xi32> to vector<256x1xi32>
    %add3A_388 = vector.broadcast %mul3A_21 : i32 to vector<256x1xi32>
    %add3A_389 = arith.addi %broadcast_in_dim3A_387, %add3A_388 : vector<256x1xi32>
    %swap3A_390 = arith.constant 0 : index
    %swap3A_391 = arith.constant 0 : index
    %swap3A_392 = arith.constant 15 : index
    %swap3A_393 = vector.load %arg3[%swap3A_390, %swap3A_391, %swap3A_392] : memref<1x256x32xi32, #tpu.memory_space<vmem>>, vector<1x256x1xi32>
    %swap3A_394 = vector.shape_cast %swap3A_393 : vector<1x256x1xi32> to vector<256x1xi32>
    %swap3A_395 = vector.shape_cast %add3A_389 : vector<256x1xi32> to vector<1x256x1xi32>
    tpu.vector_store %arg3[%swap3A_390, %swap3A_391, %swap3A_392], %swap3A_395 {strides = array<i32>} : memref<1x256x32xi32, #tpu.memory_space<vmem>>, vector<1x256x1xi32>,
    %eq3A_396 = vector.broadcast %broadcast_in_dim3A_387 : vector<256x1xi32> to vector<256x4096xi32>
    %eq3A_397 = arith.cmpi eq, %iota3A, %eq3A_396 : vector<256x4096xi32>
    %jit3A_398 = arith.constant 3.000000e+38 : f32
    %broadcast_in_dim3A_399 = vector.broadcast %jit3A_398 : f32 to vector<256x4096xf32>
    %select_n3A_400 = arith.select %eq3A_397, %broadcast_in_dim3A_399, %select_n3A_376 : vector<256x4096xi1>, vector<256x4096xf32>
    %reduce_min3A_401 = arith.constant dense<0x7F800000> : vector<256xf32>
    %reduce_min3A_402 = vector.multi_reduction <minimumf>, %select_n3A_400, %reduce_min3A_401 [1] : vector<256x4096xf32> to vector<256xf32>
    %broadcast_in_dim3A_403 = vector.shape_cast %reduce_min3A_402 : vector<256xf32> to vector<256x1xf32>
    %eq3A_404 = vector.broadcast %broadcast_in_dim3A_403 : vector<256x1xf32> to vector<256x4096xf32>
    %eq3A_405 = arith.cmpf oeq, %select_n3A_400, %eq3A_404 : vector<256x4096xf32>
    %jit3A_406 = arith.constant 1073741824 : i32
    %broadcast_in_dim3A_407 = vector.broadcast %jit3A_406 : i32 to vector<256x4096xi32>
    %select_n3A_408 = arith.select %eq3A_405, %iota3A, %broadcast_in_dim3A_407 : vector<256x4096xi1>, vector<256x4096xi32>
    %reduce_min3A_409 = arith.constant dense<2147483647> : vector<256xi32>
    %reduce_min3A_410 = vector.multi_reduction <minsi>, %select_n3A_408, %reduce_min3A_409 [1] : vector<256x4096xi32> to vector<256xi32>
    %broadcast_in_dim3A_411 = vector.shape_cast %reduce_min3A_410 : vector<256xi32> to vector<256x1xi32>
    %add3A_412 = vector.broadcast %mul3A_21 : i32 to vector<256x1xi32>
    %add3A_413 = arith.addi %broadcast_in_dim3A_411, %add3A_412 : vector<256x1xi32>
    %swap3A_414 = arith.constant 0 : index
    %swap3A_415 = arith.constant 0 : index
    %swap3A_416 = arith.constant 16 : index
    %swap3A_417 = vector.load %arg3[%swap3A_414, %swap3A_415, %swap3A_416] : memref<1x256x32xi32, #tpu.memory_space<vmem>>, vector<1x256x1xi32>
    %swap3A_418 = vector.shape_cast %swap3A_417 : vector<1x256x1xi32> to vector<256x1xi32>
    %swap3A_419 = vector.shape_cast %add3A_413 : vector<256x1xi32> to vector<1x256x1xi32>
    tpu.vector_store %arg3[%swap3A_414, %swap3A_415, %swap3A_416], %swap3A_419 {strides = array<i32>} : memref<1x256x32xi32, #tpu.memory_space<vmem>>, vector<1x256x1xi32>,
    %eq3A_420 = vector.broadcast %broadcast_in_dim3A_411 : vector<256x1xi32> to vector<256x4096xi32>
    %eq3A_421 = arith.cmpi eq, %iota3A, %eq3A_420 : vector<256x4096xi32>
    %jit3A_422 = arith.constant 3.000000e+38 : f32
    %broadcast_in_dim3A_423 = vector.broadcast %jit3A_422 : f32 to vector<256x4096xf32>
    %select_n3A_424 = arith.select %eq3A_421, %broadcast_in_dim3A_423, %select_n3A_400 : vector<256x4096xi1>, vector<256x4096xf32>
    %reduce_min3A_425 = arith.constant dense<0x7F800000> : vector<256xf32>
    %reduce_min3A_426 = vector.multi_reduction <minimumf>, %select_n3A_424, %reduce_min3A_425 [1] : vector<256x4096xf32> to vector<256xf32>
    %broadcast_in_dim3A_427 = vector.shape_cast %reduce_min3A_426 : vector<256xf32> to vector<256x1xf32>
    %eq3A_428 = vector.broadcast %broadcast_in_dim3A_427 : vector<256x1xf32> to vector<256x4096xf32>
    %eq3A_429 = arith.cmpf oeq, %select_n3A_424, %eq3A_428 : vector<256x4096xf32>
    %jit3A_430 = arith.constant 1073741824 : i32
    %broadcast_in_dim3A_431 = vector.broadcast %jit3A_430 : i32 to vector<256x4096xi32>
    %select_n3A_432 = arith.select %eq3A_429, %iota3A, %broadcast_in_dim3A_431 : vector<256x4096xi1>, vector<256x4096xi32>
    %reduce_min3A_433 = arith.constant dense<2147483647> : vector<256xi32>
    %reduce_min3A_434 = vector.multi_reduction <minsi>, %select_n3A_432, %reduce_min3A_433 [1] : vector<256x4096xi32> to vector<256xi32>
    %broadcast_in_dim3A_435 = vector.shape_cast %reduce_min3A_434 : vector<256xi32> to vector<256x1xi32>
    %add3A_436 = vector.broadcast %mul3A_21 : i32 to vector<256x1xi32>
    %add3A_437 = arith.addi %broadcast_in_dim3A_435, %add3A_436 : vector<256x1xi32>
    %swap3A_438 = arith.constant 0 : index
    %swap3A_439 = arith.constant 0 : index
    %swap3A_440 = arith.constant 17 : index
    %swap3A_441 = vector.load %arg3[%swap3A_438, %swap3A_439, %swap3A_440] : memref<1x256x32xi32, #tpu.memory_space<vmem>>, vector<1x256x1xi32>
    %swap3A_442 = vector.shape_cast %swap3A_441 : vector<1x256x1xi32> to vector<256x1xi32>
    %swap3A_443 = vector.shape_cast %add3A_437 : vector<256x1xi32> to vector<1x256x1xi32>
    tpu.vector_store %arg3[%swap3A_438, %swap3A_439, %swap3A_440], %swap3A_443 {strides = array<i32>} : memref<1x256x32xi32, #tpu.memory_space<vmem>>, vector<1x256x1xi32>,
    %eq3A_444 = vector.broadcast %broadcast_in_dim3A_435 : vector<256x1xi32> to vector<256x4096xi32>
    %eq3A_445 = arith.cmpi eq, %iota3A, %eq3A_444 : vector<256x4096xi32>
    %jit3A_446 = arith.constant 3.000000e+38 : f32
    %broadcast_in_dim3A_447 = vector.broadcast %jit3A_446 : f32 to vector<256x4096xf32>
    %select_n3A_448 = arith.select %eq3A_445, %broadcast_in_dim3A_447, %select_n3A_424 : vector<256x4096xi1>, vector<256x4096xf32>
    %reduce_min3A_449 = arith.constant dense<0x7F800000> : vector<256xf32>
    %reduce_min3A_450 = vector.multi_reduction <minimumf>, %select_n3A_448, %reduce_min3A_449 [1] : vector<256x4096xf32> to vector<256xf32>
    %broadcast_in_dim3A_451 = vector.shape_cast %reduce_min3A_450 : vector<256xf32> to vector<256x1xf32>
    %eq3A_452 = vector.broadcast %broadcast_in_dim3A_451 : vector<256x1xf32> to vector<256x4096xf32>
    %eq3A_453 = arith.cmpf oeq, %select_n3A_448, %eq3A_452 : vector<256x4096xf32>
    %jit3A_454 = arith.constant 1073741824 : i32
    %broadcast_in_dim3A_455 = vector.broadcast %jit3A_454 : i32 to vector<256x4096xi32>
    %select_n3A_456 = arith.select %eq3A_453, %iota3A, %broadcast_in_dim3A_455 : vector<256x4096xi1>, vector<256x4096xi32>
    %reduce_min3A_457 = arith.constant dense<2147483647> : vector<256xi32>
    %reduce_min3A_458 = vector.multi_reduction <minsi>, %select_n3A_456, %reduce_min3A_457 [1] : vector<256x4096xi32> to vector<256xi32>
    %broadcast_in_dim3A_459 = vector.shape_cast %reduce_min3A_458 : vector<256xi32> to vector<256x1xi32>
    %add3A_460 = vector.broadcast %mul3A_21 : i32 to vector<256x1xi32>
    %add3A_461 = arith.addi %broadcast_in_dim3A_459, %add3A_460 : vector<256x1xi32>
    %swap3A_462 = arith.constant 0 : index
    %swap3A_463 = arith.constant 0 : index
    %swap3A_464 = arith.constant 18 : index
    %swap3A_465 = vector.load %arg3[%swap3A_462, %swap3A_463, %swap3A_464] : memref<1x256x32xi32, #tpu.memory_space<vmem>>, vector<1x256x1xi32>
    %swap3A_466 = vector.shape_cast %swap3A_465 : vector<1x256x1xi32> to vector<256x1xi32>
    %swap3A_467 = vector.shape_cast %add3A_461 : vector<256x1xi32> to vector<1x256x1xi32>
    tpu.vector_store %arg3[%swap3A_462, %swap3A_463, %swap3A_464], %swap3A_467 {strides = array<i32>} : memref<1x256x32xi32, #tpu.memory_space<vmem>>, vector<1x256x1xi32>,
    %eq3A_468 = vector.broadcast %broadcast_in_dim3A_459 : vector<256x1xi32> to vector<256x4096xi32>
    %eq3A_469 = arith.cmpi eq, %iota3A, %eq3A_468 : vector<256x4096xi32>
    %jit3A_470 = arith.constant 3.000000e+38 : f32
    %broadcast_in_dim3A_471 = vector.broadcast %jit3A_470 : f32 to vector<256x4096xf32>
    %select_n3A_472 = arith.select %eq3A_469, %broadcast_in_dim3A_471, %select_n3A_448 : vector<256x4096xi1>, vector<256x4096xf32>
    %reduce_min3A_473 = arith.constant dense<0x7F800000> : vector<256xf32>
    %reduce_min3A_474 = vector.multi_reduction <minimumf>, %select_n3A_472, %reduce_min3A_473 [1] : vector<256x4096xf32> to vector<256xf32>
    %broadcast_in_dim3A_475 = vector.shape_cast %reduce_min3A_474 : vector<256xf32> to vector<256x1xf32>
    %eq3A_476 = vector.broadcast %broadcast_in_dim3A_475 : vector<256x1xf32> to vector<256x4096xf32>
    %eq3A_477 = arith.cmpf oeq, %select_n3A_472, %eq3A_476 : vector<256x4096xf32>
    %jit3A_478 = arith.constant 1073741824 : i32
    %broadcast_in_dim3A_479 = vector.broadcast %jit3A_478 : i32 to vector<256x4096xi32>
    %select_n3A_480 = arith.select %eq3A_477, %iota3A, %broadcast_in_dim3A_479 : vector<256x4096xi1>, vector<256x4096xi32>
    %reduce_min3A_481 = arith.constant dense<2147483647> : vector<256xi32>
    %reduce_min3A_482 = vector.multi_reduction <minsi>, %select_n3A_480, %reduce_min3A_481 [1] : vector<256x4096xi32> to vector<256xi32>
    %broadcast_in_dim3A_483 = vector.shape_cast %reduce_min3A_482 : vector<256xi32> to vector<256x1xi32>
    %add3A_484 = vector.broadcast %mul3A_21 : i32 to vector<256x1xi32>
    %add3A_485 = arith.addi %broadcast_in_dim3A_483, %add3A_484 : vector<256x1xi32>
    %swap3A_486 = arith.constant 0 : index
    %swap3A_487 = arith.constant 0 : index
    %swap3A_488 = arith.constant 19 : index
    %swap3A_489 = vector.load %arg3[%swap3A_486, %swap3A_487, %swap3A_488] : memref<1x256x32xi32, #tpu.memory_space<vmem>>, vector<1x256x1xi32>
    %swap3A_490 = vector.shape_cast %swap3A_489 : vector<1x256x1xi32> to vector<256x1xi32>
    %swap3A_491 = vector.shape_cast %add3A_485 : vector<256x1xi32> to vector<1x256x1xi32>
    tpu.vector_store %arg3[%swap3A_486, %swap3A_487, %swap3A_488], %swap3A_491 {strides = array<i32>} : memref<1x256x32xi32, #tpu.memory_space<vmem>>, vector<1x256x1xi32>,
    %eq3A_492 = vector.broadcast %broadcast_in_dim3A_483 : vector<256x1xi32> to vector<256x4096xi32>
    %eq3A_493 = arith.cmpi eq, %iota3A, %eq3A_492 : vector<256x4096xi32>
    %jit3A_494 = arith.constant 3.000000e+38 : f32
    %broadcast_in_dim3A_495 = vector.broadcast %jit3A_494 : f32 to vector<256x4096xf32>
    %select_n3A_496 = arith.select %eq3A_493, %broadcast_in_dim3A_495, %select_n3A_472 : vector<256x4096xi1>, vector<256x4096xf32>
    %reduce_min3A_497 = arith.constant dense<0x7F800000> : vector<256xf32>
    %reduce_min3A_498 = vector.multi_reduction <minimumf>, %select_n3A_496, %reduce_min3A_497 [1] : vector<256x4096xf32> to vector<256xf32>
    %broadcast_in_dim3A_499 = vector.shape_cast %reduce_min3A_498 : vector<256xf32> to vector<256x1xf32>
    %eq3A_500 = vector.broadcast %broadcast_in_dim3A_499 : vector<256x1xf32> to vector<256x4096xf32>
    %eq3A_501 = arith.cmpf oeq, %select_n3A_496, %eq3A_500 : vector<256x4096xf32>
    %jit3A_502 = arith.constant 1073741824 : i32
    %broadcast_in_dim3A_503 = vector.broadcast %jit3A_502 : i32 to vector<256x4096xi32>
    %select_n3A_504 = arith.select %eq3A_501, %iota3A, %broadcast_in_dim3A_503 : vector<256x4096xi1>, vector<256x4096xi32>
    %reduce_min3A_505 = arith.constant dense<2147483647> : vector<256xi32>
    %reduce_min3A_506 = vector.multi_reduction <minsi>, %select_n3A_504, %reduce_min3A_505 [1] : vector<256x4096xi32> to vector<256xi32>
    %broadcast_in_dim3A_507 = vector.shape_cast %reduce_min3A_506 : vector<256xi32> to vector<256x1xi32>
    %add3A_508 = vector.broadcast %mul3A_21 : i32 to vector<256x1xi32>
    %add3A_509 = arith.addi %broadcast_in_dim3A_507, %add3A_508 : vector<256x1xi32>
    %swap3A_510 = arith.constant 0 : index
    %swap3A_511 = arith.constant 0 : index
    %swap3A_512 = arith.constant 20 : index
    %swap3A_513 = vector.load %arg3[%swap3A_510, %swap3A_511, %swap3A_512] : memref<1x256x32xi32, #tpu.memory_space<vmem>>, vector<1x256x1xi32>
    %swap3A_514 = vector.shape_cast %swap3A_513 : vector<1x256x1xi32> to vector<256x1xi32>
    %swap3A_515 = vector.shape_cast %add3A_509 : vector<256x1xi32> to vector<1x256x1xi32>
    tpu.vector_store %arg3[%swap3A_510, %swap3A_511, %swap3A_512], %swap3A_515 {strides = array<i32>} : memref<1x256x32xi32, #tpu.memory_space<vmem>>, vector<1x256x1xi32>,
    %eq3A_516 = vector.broadcast %broadcast_in_dim3A_507 : vector<256x1xi32> to vector<256x4096xi32>
    %eq3A_517 = arith.cmpi eq, %iota3A, %eq3A_516 : vector<256x4096xi32>
    %jit3A_518 = arith.constant 3.000000e+38 : f32
    %broadcast_in_dim3A_519 = vector.broadcast %jit3A_518 : f32 to vector<256x4096xf32>
    %select_n3A_520 = arith.select %eq3A_517, %broadcast_in_dim3A_519, %select_n3A_496 : vector<256x4096xi1>, vector<256x4096xf32>
    %reduce_min3A_521 = arith.constant dense<0x7F800000> : vector<256xf32>
    %reduce_min3A_522 = vector.multi_reduction <minimumf>, %select_n3A_520, %reduce_min3A_521 [1] : vector<256x4096xf32> to vector<256xf32>
    %broadcast_in_dim3A_523 = vector.shape_cast %reduce_min3A_522 : vector<256xf32> to vector<256x1xf32>
    %eq3A_524 = vector.broadcast %broadcast_in_dim3A_523 : vector<256x1xf32> to vector<256x4096xf32>
    %eq3A_525 = arith.cmpf oeq, %select_n3A_520, %eq3A_524 : vector<256x4096xf32>
    %jit3A_526 = arith.constant 1073741824 : i32
    %broadcast_in_dim3A_527 = vector.broadcast %jit3A_526 : i32 to vector<256x4096xi32>
    %select_n3A_528 = arith.select %eq3A_525, %iota3A, %broadcast_in_dim3A_527 : vector<256x4096xi1>, vector<256x4096xi32>
    %reduce_min3A_529 = arith.constant dense<2147483647> : vector<256xi32>
    %reduce_min3A_530 = vector.multi_reduction <minsi>, %select_n3A_528, %reduce_min3A_529 [1] : vector<256x4096xi32> to vector<256xi32>
    %broadcast_in_dim3A_531 = vector.shape_cast %reduce_min3A_530 : vector<256xi32> to vector<256x1xi32>
    %add3A_532 = vector.broadcast %mul3A_21 : i32 to vector<256x1xi32>
    %add3A_533 = arith.addi %broadcast_in_dim3A_531, %add3A_532 : vector<256x1xi32>
    %swap3A_534 = arith.constant 0 : index
    %swap3A_535 = arith.constant 0 : index
    %swap3A_536 = arith.constant 21 : index
    %swap3A_537 = vector.load %arg3[%swap3A_534, %swap3A_535, %swap3A_536] : memref<1x256x32xi32, #tpu.memory_space<vmem>>, vector<1x256x1xi32>
    %swap3A_538 = vector.shape_cast %swap3A_537 : vector<1x256x1xi32> to vector<256x1xi32>
    %swap3A_539 = vector.shape_cast %add3A_533 : vector<256x1xi32> to vector<1x256x1xi32>
    tpu.vector_store %arg3[%swap3A_534, %swap3A_535, %swap3A_536], %swap3A_539 {strides = array<i32>} : memref<1x256x32xi32, #tpu.memory_space<vmem>>, vector<1x256x1xi32>,
    %eq3A_540 = vector.broadcast %broadcast_in_dim3A_531 : vector<256x1xi32> to vector<256x4096xi32>
    %eq3A_541 = arith.cmpi eq, %iota3A, %eq3A_540 : vector<256x4096xi32>
    %jit3A_542 = arith.constant 3.000000e+38 : f32
    %broadcast_in_dim3A_543 = vector.broadcast %jit3A_542 : f32 to vector<256x4096xf32>
    %select_n3A_544 = arith.select %eq3A_541, %broadcast_in_dim3A_543, %select_n3A_520 : vector<256x4096xi1>, vector<256x4096xf32>
    %reduce_min3A_545 = arith.constant dense<0x7F800000> : vector<256xf32>
    %reduce_min3A_546 = vector.multi_reduction <minimumf>, %select_n3A_544, %reduce_min3A_545 [1] : vector<256x4096xf32> to vector<256xf32>
    %broadcast_in_dim3A_547 = vector.shape_cast %reduce_min3A_546 : vector<256xf32> to vector<256x1xf32>
    %eq3A_548 = vector.broadcast %broadcast_in_dim3A_547 : vector<256x1xf32> to vector<256x4096xf32>
    %eq3A_549 = arith.cmpf oeq, %select_n3A_544, %eq3A_548 : vector<256x4096xf32>
    %jit3A_550 = arith.constant 1073741824 : i32
    %broadcast_in_dim3A_551 = vector.broadcast %jit3A_550 : i32 to vector<256x4096xi32>
    %select_n3A_552 = arith.select %eq3A_549, %iota3A, %broadcast_in_dim3A_551 : vector<256x4096xi1>, vector<256x4096xi32>
    %reduce_min3A_553 = arith.constant dense<2147483647> : vector<256xi32>
    %reduce_min3A_554 = vector.multi_reduction <minsi>, %select_n3A_552, %reduce_min3A_553 [1] : vector<256x4096xi32> to vector<256xi32>
    %broadcast_in_dim3A_555 = vector.shape_cast %reduce_min3A_554 : vector<256xi32> to vector<256x1xi32>
    %add3A_556 = vector.broadcast %mul3A_21 : i32 to vector<256x1xi32>
    %add3A_557 = arith.addi %broadcast_in_dim3A_555, %add3A_556 : vector<256x1xi32>
    %swap3A_558 = arith.constant 0 : index
    %swap3A_559 = arith.constant 0 : index
    %swap3A_560 = arith.constant 22 : index
    %swap3A_561 = vector.load %arg3[%swap3A_558, %swap3A_559, %swap3A_560] : memref<1x256x32xi32, #tpu.memory_space<vmem>>, vector<1x256x1xi32>
    %swap3A_562 = vector.shape_cast %swap3A_561 : vector<1x256x1xi32> to vector<256x1xi32>
    %swap3A_563 = vector.shape_cast %add3A_557 : vector<256x1xi32> to vector<1x256x1xi32>
    tpu.vector_store %arg3[%swap3A_558, %swap3A_559, %swap3A_560], %swap3A_563 {strides = array<i32>} : memref<1x256x32xi32, #tpu.memory_space<vmem>>, vector<1x256x1xi32>,
    %eq3A_564 = vector.broadcast %broadcast_in_dim3A_555 : vector<256x1xi32> to vector<256x4096xi32>
    %eq3A_565 = arith.cmpi eq, %iota3A, %eq3A_564 : vector<256x4096xi32>
    %jit3A_566 = arith.constant 3.000000e+38 : f32
    %broadcast_in_dim3A_567 = vector.broadcast %jit3A_566 : f32 to vector<256x4096xf32>
    %select_n3A_568 = arith.select %eq3A_565, %broadcast_in_dim3A_567, %select_n3A_544 : vector<256x4096xi1>, vector<256x4096xf32>
    %reduce_min3A_569 = arith.constant dense<0x7F800000> : vector<256xf32>
    %reduce_min3A_570 = vector.multi_reduction <minimumf>, %select_n3A_568, %reduce_min3A_569 [1] : vector<256x4096xf32> to vector<256xf32>
    %broadcast_in_dim3A_571 = vector.shape_cast %reduce_min3A_570 : vector<256xf32> to vector<256x1xf32>
    %eq3A_572 = vector.broadcast %broadcast_in_dim3A_571 : vector<256x1xf32> to vector<256x4096xf32>
    %eq3A_573 = arith.cmpf oeq, %select_n3A_568, %eq3A_572 : vector<256x4096xf32>
    %jit3A_574 = arith.constant 1073741824 : i32
    %broadcast_in_dim3A_575 = vector.broadcast %jit3A_574 : i32 to vector<256x4096xi32>
    %select_n3A_576 = arith.select %eq3A_573, %iota3A, %broadcast_in_dim3A_575 : vector<256x4096xi1>, vector<256x4096xi32>
    %reduce_min3A_577 = arith.constant dense<2147483647> : vector<256xi32>
    %reduce_min3A_578 = vector.multi_reduction <minsi>, %select_n3A_576, %reduce_min3A_577 [1] : vector<256x4096xi32> to vector<256xi32>
    %broadcast_in_dim3A_579 = vector.shape_cast %reduce_min3A_578 : vector<256xi32> to vector<256x1xi32>
    %add3A_580 = vector.broadcast %mul3A_21 : i32 to vector<256x1xi32>
    %add3A_581 = arith.addi %broadcast_in_dim3A_579, %add3A_580 : vector<256x1xi32>
    %swap3A_582 = arith.constant 0 : index
    %swap3A_583 = arith.constant 0 : index
    %swap3A_584 = arith.constant 23 : index
    %swap3A_585 = vector.load %arg3[%swap3A_582, %swap3A_583, %swap3A_584] : memref<1x256x32xi32, #tpu.memory_space<vmem>>, vector<1x256x1xi32>
    %swap3A_586 = vector.shape_cast %swap3A_585 : vector<1x256x1xi32> to vector<256x1xi32>
    %swap3A_587 = vector.shape_cast %add3A_581 : vector<256x1xi32> to vector<1x256x1xi32>
    tpu.vector_store %arg3[%swap3A_582, %swap3A_583, %swap3A_584], %swap3A_587 {strides = array<i32>} : memref<1x256x32xi32, #tpu.memory_space<vmem>>, vector<1x256x1xi32>,
    %eq3A_588 = vector.broadcast %broadcast_in_dim3A_579 : vector<256x1xi32> to vector<256x4096xi32>
    %eq3A_589 = arith.cmpi eq, %iota3A, %eq3A_588 : vector<256x4096xi32>
    %jit3A_590 = arith.constant 3.000000e+38 : f32
    %broadcast_in_dim3A_591 = vector.broadcast %jit3A_590 : f32 to vector<256x4096xf32>
    %select_n3A_592 = arith.select %eq3A_589, %broadcast_in_dim3A_591, %select_n3A_568 : vector<256x4096xi1>, vector<256x4096xf32>
    %reduce_min3A_593 = arith.constant dense<0x7F800000> : vector<256xf32>
    %reduce_min3A_594 = vector.multi_reduction <minimumf>, %select_n3A_592, %reduce_min3A_593 [1] : vector<256x4096xf32> to vector<256xf32>
    %broadcast_in_dim3A_595 = vector.shape_cast %reduce_min3A_594 : vector<256xf32> to vector<256x1xf32>
    %eq3A_596 = vector.broadcast %broadcast_in_dim3A_595 : vector<256x1xf32> to vector<256x4096xf32>
    %eq3A_597 = arith.cmpf oeq, %select_n3A_592, %eq3A_596 : vector<256x4096xf32>
    %jit3A_598 = arith.constant 1073741824 : i32
    %broadcast_in_dim3A_599 = vector.broadcast %jit3A_598 : i32 to vector<256x4096xi32>
    %select_n3A_600 = arith.select %eq3A_597, %iota3A, %broadcast_in_dim3A_599 : vector<256x4096xi1>, vector<256x4096xi32>
    %reduce_min3A_601 = arith.constant dense<2147483647> : vector<256xi32>
    %reduce_min3A_602 = vector.multi_reduction <minsi>, %select_n3A_600, %reduce_min3A_601 [1] : vector<256x4096xi32> to vector<256xi32>
    %broadcast_in_dim3A_603 = vector.shape_cast %reduce_min3A_602 : vector<256xi32> to vector<256x1xi32>
    %add3A_604 = vector.broadcast %mul3A_21 : i32 to vector<256x1xi32>
    %add3A_605 = arith.addi %broadcast_in_dim3A_603, %add3A_604 : vector<256x1xi32>
    %swap3A_606 = arith.constant 0 : index
    %swap3A_607 = arith.constant 0 : index
    %swap3A_608 = arith.constant 24 : index
    %swap3A_609 = vector.load %arg3[%swap3A_606, %swap3A_607, %swap3A_608] : memref<1x256x32xi32, #tpu.memory_space<vmem>>, vector<1x256x1xi32>
    %swap3A_610 = vector.shape_cast %swap3A_609 : vector<1x256x1xi32> to vector<256x1xi32>
    %swap3A_611 = vector.shape_cast %add3A_605 : vector<256x1xi32> to vector<1x256x1xi32>
    tpu.vector_store %arg3[%swap3A_606, %swap3A_607, %swap3A_608], %swap3A_611 {strides = array<i32>} : memref<1x256x32xi32, #tpu.memory_space<vmem>>, vector<1x256x1xi32>,
    %eq3A_612 = vector.broadcast %broadcast_in_dim3A_603 : vector<256x1xi32> to vector<256x4096xi32>
    %eq3A_613 = arith.cmpi eq, %iota3A, %eq3A_612 : vector<256x4096xi32>
    %jit3A_614 = arith.constant 3.000000e+38 : f32
    %broadcast_in_dim3A_615 = vector.broadcast %jit3A_614 : f32 to vector<256x4096xf32>
    %select_n3A_616 = arith.select %eq3A_613, %broadcast_in_dim3A_615, %select_n3A_592 : vector<256x4096xi1>, vector<256x4096xf32>
    %reduce_min3A_617 = arith.constant dense<0x7F800000> : vector<256xf32>
    %reduce_min3A_618 = vector.multi_reduction <minimumf>, %select_n3A_616, %reduce_min3A_617 [1] : vector<256x4096xf32> to vector<256xf32>
    %broadcast_in_dim3A_619 = vector.shape_cast %reduce_min3A_618 : vector<256xf32> to vector<256x1xf32>
    %eq3A_620 = vector.broadcast %broadcast_in_dim3A_619 : vector<256x1xf32> to vector<256x4096xf32>
    %eq3A_621 = arith.cmpf oeq, %select_n3A_616, %eq3A_620 : vector<256x4096xf32>
    %jit3A_622 = arith.constant 1073741824 : i32
    %broadcast_in_dim3A_623 = vector.broadcast %jit3A_622 : i32 to vector<256x4096xi32>
    %select_n3A_624 = arith.select %eq3A_621, %iota3A, %broadcast_in_dim3A_623 : vector<256x4096xi1>, vector<256x4096xi32>
    %reduce_min3A_625 = arith.constant dense<2147483647> : vector<256xi32>
    %reduce_min3A_626 = vector.multi_reduction <minsi>, %select_n3A_624, %reduce_min3A_625 [1] : vector<256x4096xi32> to vector<256xi32>
    %broadcast_in_dim3A_627 = vector.shape_cast %reduce_min3A_626 : vector<256xi32> to vector<256x1xi32>
    %add3A_628 = vector.broadcast %mul3A_21 : i32 to vector<256x1xi32>
    %add3A_629 = arith.addi %broadcast_in_dim3A_627, %add3A_628 : vector<256x1xi32>
    %swap3A_630 = arith.constant 0 : index
    %swap3A_631 = arith.constant 0 : index
    %swap3A_632 = arith.constant 25 : index
    %swap3A_633 = vector.load %arg3[%swap3A_630, %swap3A_631, %swap3A_632] : memref<1x256x32xi32, #tpu.memory_space<vmem>>, vector<1x256x1xi32>
    %swap3A_634 = vector.shape_cast %swap3A_633 : vector<1x256x1xi32> to vector<256x1xi32>
    %swap3A_635 = vector.shape_cast %add3A_629 : vector<256x1xi32> to vector<1x256x1xi32>
    tpu.vector_store %arg3[%swap3A_630, %swap3A_631, %swap3A_632], %swap3A_635 {strides = array<i32>} : memref<1x256x32xi32, #tpu.memory_space<vmem>>, vector<1x256x1xi32>,
    %eq3A_636 = vector.broadcast %broadcast_in_dim3A_627 : vector<256x1xi32> to vector<256x4096xi32>
    %eq3A_637 = arith.cmpi eq, %iota3A, %eq3A_636 : vector<256x4096xi32>
    %jit3A_638 = arith.constant 3.000000e+38 : f32
    %broadcast_in_dim3A_639 = vector.broadcast %jit3A_638 : f32 to vector<256x4096xf32>
    %select_n3A_640 = arith.select %eq3A_637, %broadcast_in_dim3A_639, %select_n3A_616 : vector<256x4096xi1>, vector<256x4096xf32>
    %reduce_min3A_641 = arith.constant dense<0x7F800000> : vector<256xf32>
    %reduce_min3A_642 = vector.multi_reduction <minimumf>, %select_n3A_640, %reduce_min3A_641 [1] : vector<256x4096xf32> to vector<256xf32>
    %broadcast_in_dim3A_643 = vector.shape_cast %reduce_min3A_642 : vector<256xf32> to vector<256x1xf32>
    %eq3A_644 = vector.broadcast %broadcast_in_dim3A_643 : vector<256x1xf32> to vector<256x4096xf32>
    %eq3A_645 = arith.cmpf oeq, %select_n3A_640, %eq3A_644 : vector<256x4096xf32>
    %jit3A_646 = arith.constant 1073741824 : i32
    %broadcast_in_dim3A_647 = vector.broadcast %jit3A_646 : i32 to vector<256x4096xi32>
    %select_n3A_648 = arith.select %eq3A_645, %iota3A, %broadcast_in_dim3A_647 : vector<256x4096xi1>, vector<256x4096xi32>
    %reduce_min3A_649 = arith.constant dense<2147483647> : vector<256xi32>
    %reduce_min3A_650 = vector.multi_reduction <minsi>, %select_n3A_648, %reduce_min3A_649 [1] : vector<256x4096xi32> to vector<256xi32>
    %broadcast_in_dim3A_651 = vector.shape_cast %reduce_min3A_650 : vector<256xi32> to vector<256x1xi32>
    %add3A_652 = vector.broadcast %mul3A_21 : i32 to vector<256x1xi32>
    %add3A_653 = arith.addi %broadcast_in_dim3A_651, %add3A_652 : vector<256x1xi32>
    %swap3A_654 = arith.constant 0 : index
    %swap3A_655 = arith.constant 0 : index
    %swap3A_656 = arith.constant 26 : index
    %swap3A_657 = vector.load %arg3[%swap3A_654, %swap3A_655, %swap3A_656] : memref<1x256x32xi32, #tpu.memory_space<vmem>>, vector<1x256x1xi32>
    %swap3A_658 = vector.shape_cast %swap3A_657 : vector<1x256x1xi32> to vector<256x1xi32>
    %swap3A_659 = vector.shape_cast %add3A_653 : vector<256x1xi32> to vector<1x256x1xi32>
    tpu.vector_store %arg3[%swap3A_654, %swap3A_655, %swap3A_656], %swap3A_659 {strides = array<i32>} : memref<1x256x32xi32, #tpu.memory_space<vmem>>, vector<1x256x1xi32>,
    %eq3A_660 = vector.broadcast %broadcast_in_dim3A_651 : vector<256x1xi32> to vector<256x4096xi32>
    %eq3A_661 = arith.cmpi eq, %iota3A, %eq3A_660 : vector<256x4096xi32>
    %jit3A_662 = arith.constant 3.000000e+38 : f32
    %broadcast_in_dim3A_663 = vector.broadcast %jit3A_662 : f32 to vector<256x4096xf32>
    %select_n3A_664 = arith.select %eq3A_661, %broadcast_in_dim3A_663, %select_n3A_640 : vector<256x4096xi1>, vector<256x4096xf32>
    %reduce_min3A_665 = arith.constant dense<0x7F800000> : vector<256xf32>
    %reduce_min3A_666 = vector.multi_reduction <minimumf>, %select_n3A_664, %reduce_min3A_665 [1] : vector<256x4096xf32> to vector<256xf32>
    %broadcast_in_dim3A_667 = vector.shape_cast %reduce_min3A_666 : vector<256xf32> to vector<256x1xf32>
    %eq3A_668 = vector.broadcast %broadcast_in_dim3A_667 : vector<256x1xf32> to vector<256x4096xf32>
    %eq3A_669 = arith.cmpf oeq, %select_n3A_664, %eq3A_668 : vector<256x4096xf32>
    %jit3A_670 = arith.constant 1073741824 : i32
    %broadcast_in_dim3A_671 = vector.broadcast %jit3A_670 : i32 to vector<256x4096xi32>
    %select_n3A_672 = arith.select %eq3A_669, %iota3A, %broadcast_in_dim3A_671 : vector<256x4096xi1>, vector<256x4096xi32>
    %reduce_min3A_673 = arith.constant dense<2147483647> : vector<256xi32>
    %reduce_min3A_674 = vector.multi_reduction <minsi>, %select_n3A_672, %reduce_min3A_673 [1] : vector<256x4096xi32> to vector<256xi32>
    %broadcast_in_dim3A_675 = vector.shape_cast %reduce_min3A_674 : vector<256xi32> to vector<256x1xi32>
    %add3A_676 = vector.broadcast %mul3A_21 : i32 to vector<256x1xi32>
    %add3A_677 = arith.addi %broadcast_in_dim3A_675, %add3A_676 : vector<256x1xi32>
    %swap3A_678 = arith.constant 0 : index
    %swap3A_679 = arith.constant 0 : index
    %swap3A_680 = arith.constant 27 : index
    %swap3A_681 = vector.load %arg3[%swap3A_678, %swap3A_679, %swap3A_680] : memref<1x256x32xi32, #tpu.memory_space<vmem>>, vector<1x256x1xi32>
    %swap3A_682 = vector.shape_cast %swap3A_681 : vector<1x256x1xi32> to vector<256x1xi32>
    %swap3A_683 = vector.shape_cast %add3A_677 : vector<256x1xi32> to vector<1x256x1xi32>
    tpu.vector_store %arg3[%swap3A_678, %swap3A_679, %swap3A_680], %swap3A_683 {strides = array<i32>} : memref<1x256x32xi32, #tpu.memory_space<vmem>>, vector<1x256x1xi32>,
    %eq3A_684 = vector.broadcast %broadcast_in_dim3A_675 : vector<256x1xi32> to vector<256x4096xi32>
    %eq3A_685 = arith.cmpi eq, %iota3A, %eq3A_684 : vector<256x4096xi32>
    %jit3A_686 = arith.constant 3.000000e+38 : f32
    %broadcast_in_dim3A_687 = vector.broadcast %jit3A_686 : f32 to vector<256x4096xf32>
    %select_n3A_688 = arith.select %eq3A_685, %broadcast_in_dim3A_687, %select_n3A_664 : vector<256x4096xi1>, vector<256x4096xf32>
    %reduce_min3A_689 = arith.constant dense<0x7F800000> : vector<256xf32>
    %reduce_min3A_690 = vector.multi_reduction <minimumf>, %select_n3A_688, %reduce_min3A_689 [1] : vector<256x4096xf32> to vector<256xf32>
    %broadcast_in_dim3A_691 = vector.shape_cast %reduce_min3A_690 : vector<256xf32> to vector<256x1xf32>
    %eq3A_692 = vector.broadcast %broadcast_in_dim3A_691 : vector<256x1xf32> to vector<256x4096xf32>
    %eq3A_693 = arith.cmpf oeq, %select_n3A_688, %eq3A_692 : vector<256x4096xf32>
    %jit3A_694 = arith.constant 1073741824 : i32
    %broadcast_in_dim3A_695 = vector.broadcast %jit3A_694 : i32 to vector<256x4096xi32>
    %select_n3A_696 = arith.select %eq3A_693, %iota3A, %broadcast_in_dim3A_695 : vector<256x4096xi1>, vector<256x4096xi32>
    %reduce_min3A_697 = arith.constant dense<2147483647> : vector<256xi32>
    %reduce_min3A_698 = vector.multi_reduction <minsi>, %select_n3A_696, %reduce_min3A_697 [1] : vector<256x4096xi32> to vector<256xi32>
    %broadcast_in_dim3A_699 = vector.shape_cast %reduce_min3A_698 : vector<256xi32> to vector<256x1xi32>
    %add3A_700 = vector.broadcast %mul3A_21 : i32 to vector<256x1xi32>
    %add3A_701 = arith.addi %broadcast_in_dim3A_699, %add3A_700 : vector<256x1xi32>
    %swap3A_702 = arith.constant 0 : index
    %swap3A_703 = arith.constant 0 : index
    %swap3A_704 = arith.constant 28 : index
    %swap3A_705 = vector.load %arg3[%swap3A_702, %swap3A_703, %swap3A_704] : memref<1x256x32xi32, #tpu.memory_space<vmem>>, vector<1x256x1xi32>
    %swap3A_706 = vector.shape_cast %swap3A_705 : vector<1x256x1xi32> to vector<256x1xi32>
    %swap3A_707 = vector.shape_cast %add3A_701 : vector<256x1xi32> to vector<1x256x1xi32>
    tpu.vector_store %arg3[%swap3A_702, %swap3A_703, %swap3A_704], %swap3A_707 {strides = array<i32>} : memref<1x256x32xi32, #tpu.memory_space<vmem>>, vector<1x256x1xi32>,
    %eq3A_708 = vector.broadcast %broadcast_in_dim3A_699 : vector<256x1xi32> to vector<256x4096xi32>
    %eq3A_709 = arith.cmpi eq, %iota3A, %eq3A_708 : vector<256x4096xi32>
    %jit3A_710 = arith.constant 3.000000e+38 : f32
    %broadcast_in_dim3A_711 = vector.broadcast %jit3A_710 : f32 to vector<256x4096xf32>
    %select_n3A_712 = arith.select %eq3A_709, %broadcast_in_dim3A_711, %select_n3A_688 : vector<256x4096xi1>, vector<256x4096xf32>
    %reduce_min3A_713 = arith.constant dense<0x7F800000> : vector<256xf32>
    %reduce_min3A_714 = vector.multi_reduction <minimumf>, %select_n3A_712, %reduce_min3A_713 [1] : vector<256x4096xf32> to vector<256xf32>
    %broadcast_in_dim3A_715 = vector.shape_cast %reduce_min3A_714 : vector<256xf32> to vector<256x1xf32>
    %eq3A_716 = vector.broadcast %broadcast_in_dim3A_715 : vector<256x1xf32> to vector<256x4096xf32>
    %eq3A_717 = arith.cmpf oeq, %select_n3A_712, %eq3A_716 : vector<256x4096xf32>
    %jit3A_718 = arith.constant 1073741824 : i32
    %broadcast_in_dim3A_719 = vector.broadcast %jit3A_718 : i32 to vector<256x4096xi32>
    %select_n3A_720 = arith.select %eq3A_717, %iota3A, %broadcast_in_dim3A_719 : vector<256x4096xi1>, vector<256x4096xi32>
    %reduce_min3A_721 = arith.constant dense<2147483647> : vector<256xi32>
    %reduce_min3A_722 = vector.multi_reduction <minsi>, %select_n3A_720, %reduce_min3A_721 [1] : vector<256x4096xi32> to vector<256xi32>
    %broadcast_in_dim3A_723 = vector.shape_cast %reduce_min3A_722 : vector<256xi32> to vector<256x1xi32>
    %add3A_724 = vector.broadcast %mul3A_21 : i32 to vector<256x1xi32>
    %add3A_725 = arith.addi %broadcast_in_dim3A_723, %add3A_724 : vector<256x1xi32>
    %swap3A_726 = arith.constant 0 : index
    %swap3A_727 = arith.constant 0 : index
    %swap3A_728 = arith.constant 29 : index
    %swap3A_729 = vector.load %arg3[%swap3A_726, %swap3A_727, %swap3A_728] : memref<1x256x32xi32, #tpu.memory_space<vmem>>, vector<1x256x1xi32>
    %swap3A_730 = vector.shape_cast %swap3A_729 : vector<1x256x1xi32> to vector<256x1xi32>
    %swap3A_731 = vector.shape_cast %add3A_725 : vector<256x1xi32> to vector<1x256x1xi32>
    tpu.vector_store %arg3[%swap3A_726, %swap3A_727, %swap3A_728], %swap3A_731 {strides = array<i32>} : memref<1x256x32xi32, #tpu.memory_space<vmem>>, vector<1x256x1xi32>,
    %eq3A_732 = vector.broadcast %broadcast_in_dim3A_723 : vector<256x1xi32> to vector<256x4096xi32>
    %eq3A_733 = arith.cmpi eq, %iota3A, %eq3A_732 : vector<256x4096xi32>
    %jit3A_734 = arith.constant 3.000000e+38 : f32
    %broadcast_in_dim3A_735 = vector.broadcast %jit3A_734 : f32 to vector<256x4096xf32>
    %select_n3A_736 = arith.select %eq3A_733, %broadcast_in_dim3A_735, %select_n3A_712 : vector<256x4096xi1>, vector<256x4096xf32>
    %reduce_min3A_737 = arith.constant dense<0x7F800000> : vector<256xf32>
    %reduce_min3A_738 = vector.multi_reduction <minimumf>, %select_n3A_736, %reduce_min3A_737 [1] : vector<256x4096xf32> to vector<256xf32>
    %broadcast_in_dim3A_739 = vector.shape_cast %reduce_min3A_738 : vector<256xf32> to vector<256x1xf32>
    %eq3A_740 = vector.broadcast %broadcast_in_dim3A_739 : vector<256x1xf32> to vector<256x4096xf32>
    %eq3A_741 = arith.cmpf oeq, %select_n3A_736, %eq3A_740 : vector<256x4096xf32>
    %jit3A_742 = arith.constant 1073741824 : i32
    %broadcast_in_dim3A_743 = vector.broadcast %jit3A_742 : i32 to vector<256x4096xi32>
    %select_n3A_744 = arith.select %eq3A_741, %iota3A, %broadcast_in_dim3A_743 : vector<256x4096xi1>, vector<256x4096xi32>
    %reduce_min3A_745 = arith.constant dense<2147483647> : vector<256xi32>
    %reduce_min3A_746 = vector.multi_reduction <minsi>, %select_n3A_744, %reduce_min3A_745 [1] : vector<256x4096xi32> to vector<256xi32>
    %broadcast_in_dim3A_747 = vector.shape_cast %reduce_min3A_746 : vector<256xi32> to vector<256x1xi32>
    %add3A_748 = vector.broadcast %mul3A_21 : i32 to vector<256x1xi32>
    %add3A_749 = arith.addi %broadcast_in_dim3A_747, %add3A_748 : vector<256x1xi32>
    %swap3A_750 = arith.constant 0 : index
    %swap3A_751 = arith.constant 0 : index
    %swap3A_752 = arith.constant 30 : index
    %swap3A_753 = vector.load %arg3[%swap3A_750, %swap3A_751, %swap3A_752] : memref<1x256x32xi32, #tpu.memory_space<vmem>>, vector<1x256x1xi32>
    %swap3A_754 = vector.shape_cast %swap3A_753 : vector<1x256x1xi32> to vector<256x1xi32>
    %swap3A_755 = vector.shape_cast %add3A_749 : vector<256x1xi32> to vector<1x256x1xi32>
    tpu.vector_store %arg3[%swap3A_750, %swap3A_751, %swap3A_752], %swap3A_755 {strides = array<i32>} : memref<1x256x32xi32, #tpu.memory_space<vmem>>, vector<1x256x1xi32>,
    %eq3A_756 = vector.broadcast %broadcast_in_dim3A_747 : vector<256x1xi32> to vector<256x4096xi32>
    %eq3A_757 = arith.cmpi eq, %iota3A, %eq3A_756 : vector<256x4096xi32>
    %jit3A_758 = arith.constant 3.000000e+38 : f32
    %broadcast_in_dim3A_759 = vector.broadcast %jit3A_758 : f32 to vector<256x4096xf32>
    %select_n3A_760 = arith.select %eq3A_757, %broadcast_in_dim3A_759, %select_n3A_736 : vector<256x4096xi1>, vector<256x4096xf32>
    %reduce_min3A_761 = arith.constant dense<0x7F800000> : vector<256xf32>
    %reduce_min3A_762 = vector.multi_reduction <minimumf>, %select_n3A_760, %reduce_min3A_761 [1] : vector<256x4096xf32> to vector<256xf32>
    %broadcast_in_dim3A_763 = vector.shape_cast %reduce_min3A_762 : vector<256xf32> to vector<256x1xf32>
    %eq3A_764 = vector.broadcast %broadcast_in_dim3A_763 : vector<256x1xf32> to vector<256x4096xf32>
    %eq3A_765 = arith.cmpf oeq, %select_n3A_760, %eq3A_764 : vector<256x4096xf32>
    %jit3A_766 = arith.constant 1073741824 : i32
    %broadcast_in_dim3A_767 = vector.broadcast %jit3A_766 : i32 to vector<256x4096xi32>
    %select_n3A_768 = arith.select %eq3A_765, %iota3A, %broadcast_in_dim3A_767 : vector<256x4096xi1>, vector<256x4096xi32>
    %reduce_min3A_769 = arith.constant dense<2147483647> : vector<256xi32>
    %reduce_min3A_770 = vector.multi_reduction <minsi>, %select_n3A_768, %reduce_min3A_769 [1] : vector<256x4096xi32> to vector<256xi32>
    %broadcast_in_dim3A_771 = vector.shape_cast %reduce_min3A_770 : vector<256xi32> to vector<256x1xi32>
    %add3A_772 = vector.broadcast %mul3A_21 : i32 to vector<256x1xi32>
    %add3A_773 = arith.addi %broadcast_in_dim3A_771, %add3A_772 : vector<256x1xi32>
    %swap3A_774 = arith.constant 0 : index
    %swap3A_775 = arith.constant 0 : index
    %swap3A_776 = arith.constant 31 : index
    %swap3A_777 = vector.load %arg3[%swap3A_774, %swap3A_775, %swap3A_776] : memref<1x256x32xi32, #tpu.memory_space<vmem>>, vector<1x256x1xi32>
    %swap3A_778 = vector.shape_cast %swap3A_777 : vector<1x256x1xi32> to vector<256x1xi32>
    %swap3A_779 = vector.shape_cast %add3A_773 : vector<256x1xi32> to vector<1x256x1xi32>
    tpu.vector_store %arg3[%swap3A_774, %swap3A_775, %swap3A_776], %swap3A_779 {strides = array<i32>} : memref<1x256x32xi32, #tpu.memory_space<vmem>>, vector<1x256x1xi32>,
    return
  }
  func.func @transform_0(%arg0: i32) -> (i32, i32, i32) {
    %c0_i32 = arith.constant 0 : i32
    %c0_i32_0 = arith.constant 0 : i32
    %c0_i32_1 = arith.constant 0 : i32
    return %arg0, %c0_i32, %c0_i32_0 : i32, i32, i32
  }
  func.func @transform_1(%arg0: i32) -> (i32, i32, i32) {
    %c0_i32 = arith.constant 0 : i32
    %c0_i32_0 = arith.constant 0 : i32
    %c0_i32_1 = arith.constant 0 : i32
    return %arg0, %c0_i32, %c0_i32_0 : i32, i32, i32
  }
  func.func @transform_2(%arg0: i32) -> (i32, i32, i32) {
    %c0_i32 = arith.constant 0 : i32
    %c0_i32_0 = arith.constant 0 : i32
    %c0_i32_1 = arith.constant 0 : i32
    return %arg0, %c0_i32, %c0_i32_0 : i32, i32, i32
  }
}

module attributes {stable_mosaic.version = 14 : i64} {
  func.func @_conv_body(%arg0: i32, %arg1: i32, %arg2: memref<1x4096x128xf32, #tpu.memory_space<vmem>>, %arg3: memref<1x128x128xf32, #tpu.memory_space<vmem>>, %arg4: memref<1x4096x128xf32, #tpu.memory_space<vmem>>, %arg5: memref<128x64xf32, #tpu.memory_space<vmem>>, %arg6: memref<64x64xf32, #tpu.memory_space<vmem>>, %arg7: memref<64x64xf32, #tpu.memory_space<vmem>>, %arg8: memref<1x64xf32, #tpu.memory_space<vmem>>, %arg9: memref<1x64xf32, #tpu.memory_space<vmem>>, %arg10: memref<1x64xf32, #tpu.memory_space<vmem>>, %arg11: memref<1x64xf32, #tpu.memory_space<vmem>>, %arg12: memref<1x64xf32, #tpu.memory_space<vmem>>, %arg13: memref<1x64xf32, #tpu.memory_space<vmem>>, %arg14: memref<1x16384x64xf32, #tpu.memory_space<vmem>>, %arg15: memref<4096x64xf32, #tpu.memory_space<vmem>>) attributes {dimension_semantics = [#tpu.dimension_semantics<arbitrary>, #tpu.dimension_semantics<arbitrary>], iteration_bounds = array<i64: 16, 2>, scalar_prefetch = 0 : i64, scratch_operands = 1 : i64, tpu.core_type = #tpu.core_type<tc>, window_params = [{transform_indices = @transform_0, window_bounds = array<i64: 1, 4096, 128>}, {transform_indices = @transform_1, window_bounds = array<i64: 1, 128, 128>}, {transform_indices = @transform_2, window_bounds = array<i64: 1, 4096, 128>}, {pipeline_mode = #tpu.pipeline_mode<synchronous>, transform_indices = @transform_3, window_bounds = array<i64: 128, 64>}, {pipeline_mode = #tpu.pipeline_mode<synchronous>, transform_indices = @transform_4, window_bounds = array<i64: 64, 64>}, {pipeline_mode = #tpu.pipeline_mode<synchronous>, transform_indices = @transform_5, window_bounds = array<i64: 64, 64>}, {pipeline_mode = #tpu.pipeline_mode<synchronous>, transform_indices = @transform_6, window_bounds = array<i64: 1, 64>}, {pipeline_mode = #tpu.pipeline_mode<synchronous>, transform_indices = @transform_7, window_bounds = array<i64: 1, 64>}, {pipeline_mode = #tpu.pipeline_mode<synchronous>, transform_indices = @transform_8, window_bounds = array<i64: 1, 64>}, {pipeline_mode = #tpu.pipeline_mode<synchronous>, transform_indices = @transform_9, window_bounds = array<i64: 1, 64>}, {pipeline_mode = #tpu.pipeline_mode<synchronous>, transform_indices = @transform_10, window_bounds = array<i64: 1, 64>}, {pipeline_mode = #tpu.pipeline_mode<synchronous>, transform_indices = @transform_11, window_bounds = array<i64: 1, 64>}, {transform_indices = @transform_12, window_bounds = array<i64: 1, 16384, 64>}]} {
    %get3A = arith.constant 0 : index
    %get3A_0 = arith.constant 0 : index
    %get3A_1 = arith.constant 0 : index
    %get3A_2 = vector.load %arg2[%get3A, %get3A_0, %get3A_1] : memref<1x4096x128xf32, #tpu.memory_space<vmem>>, vector<1x4096x128xf32>
    %get3A_3 = vector.shape_cast %get3A_2 : vector<1x4096x128xf32> to vector<4096x128xf32>
    %reshape3A = vector.shape_cast %get3A_3 : vector<4096x128xf32> to vector<128x32x128xf32>
    %get3A_4 = arith.constant 0 : index
    %get3A_5 = arith.constant 0 : index
    %get3A_6 = arith.constant 0 : index
    %get3A_7 = vector.load %arg3[%get3A_4, %get3A_5, %get3A_6] : memref<1x128x128xf32, #tpu.memory_space<vmem>>, vector<1x128x128xf32>
    %get3A_8 = vector.shape_cast %get3A_7 : vector<1x128x128xf32> to vector<128x128xf32>
    %broadcast_in_dim3A = vector.shape_cast %get3A_8 : vector<128x128xf32> to vector<128x1x128xf32>
    %sub3A = vector.broadcast %broadcast_in_dim3A : vector<128x1x128xf32> to vector<128x32x128xf32>
    %sub3A_9 = arith.subf %reshape3A, %sub3A : vector<128x32x128xf32>
    %reshape3A_10 = vector.shape_cast %sub3A_9 : vector<128x32x128xf32> to vector<4096x128xf32>
    %convert_element_type3A = arith.truncf %reshape3A_10 : vector<4096x128xf32> to vector<4096x128xbf16>
    %get3A_11 = arith.constant 0 : index
    %get3A_12 = arith.constant 0 : index
    %get3A_13 = vector.load %arg5[%get3A_11, %get3A_12] : memref<128x64xf32, #tpu.memory_space<vmem>>, vector<128x64xf32>
    %convert_element_type3A_14 = arith.truncf %get3A_13 : vector<128x64xf32> to vector<128x64xbf16>
    %dot_general3A = arith.constant dense<0.000000e+00> : vector<4096x64xf32>
    %dot_general3A_15 = tpu.matmul %convert_element_type3A, %convert_element_type3A_14, %dot_general3A {dimension_numbers = #tpu.dot_dimension_numbers<[1], [0], [0], [1], [0, 0, 1, 1], [], []>, transpose_lhs_hint = false} : vector<4096x128xbf16>, vector<128x64xbf16>, vector<4096x64xf32> -> vector<4096x64xf32>
    %get3A_16 = arith.constant 0 : index
    %get3A_17 = arith.constant 0 : index
    %get3A_18 = vector.load %arg8[%get3A_16, %get3A_17] : memref<1x64xf32, #tpu.memory_space<vmem>>, vector<1x64xf32>
    %mul3A = vector.broadcast %get3A_18 : vector<1x64xf32> to vector<4096x64xf32>
    %mul3A_19 = arith.mulf %dot_general3A_15, %mul3A : vector<4096x64xf32>
    %get3A_20 = arith.constant 0 : index
    %get3A_21 = arith.constant 0 : index
    %get3A_22 = vector.load %arg9[%get3A_20, %get3A_21] : memref<1x64xf32, #tpu.memory_space<vmem>>, vector<1x64xf32>
    %add3A = vector.broadcast %get3A_22 : vector<1x64xf32> to vector<4096x64xf32>
    %add3A_23 = arith.addf %mul3A_19, %add3A : vector<4096x64xf32>
    %max3A = arith.constant 0.000000e+00 : f32
    %max3A_24 = vector.broadcast %max3A : f32 to vector<4096x64xf32>
    %max3A_25 = arith.maximumf %add3A_23, %max3A_24 : vector<4096x64xf32>
    %convert_element_type3A_26 = arith.truncf %max3A_25 : vector<4096x64xf32> to vector<4096x64xbf16>
    %get3A_27 = arith.constant 0 : index
    %get3A_28 = arith.constant 0 : index
    %get3A_29 = vector.load %arg6[%get3A_27, %get3A_28] : memref<64x64xf32, #tpu.memory_space<vmem>>, vector<64x64xf32>
    %convert_element_type3A_30 = arith.truncf %get3A_29 : vector<64x64xf32> to vector<64x64xbf16>
    %dot_general3A_31 = arith.constant dense<0.000000e+00> : vector<4096x64xf32>
    %dot_general3A_32 = tpu.matmul %convert_element_type3A_26, %convert_element_type3A_30, %dot_general3A_31 {dimension_numbers = #tpu.dot_dimension_numbers<[1], [0], [0], [1], [0, 0, 1, 1], [], []>, transpose_lhs_hint = false} : vector<4096x64xbf16>, vector<64x64xbf16>, vector<4096x64xf32> -> vector<4096x64xf32>
    %get3A_33 = arith.constant 0 : index
    %get3A_34 = arith.constant 0 : index
    %get3A_35 = vector.load %arg10[%get3A_33, %get3A_34] : memref<1x64xf32, #tpu.memory_space<vmem>>, vector<1x64xf32>
    %mul3A_36 = vector.broadcast %get3A_35 : vector<1x64xf32> to vector<4096x64xf32>
    %mul3A_37 = arith.mulf %dot_general3A_32, %mul3A_36 : vector<4096x64xf32>
    %get3A_38 = arith.constant 0 : index
    %get3A_39 = arith.constant 0 : index
    %get3A_40 = vector.load %arg11[%get3A_38, %get3A_39] : memref<1x64xf32, #tpu.memory_space<vmem>>, vector<1x64xf32>
    %add3A_41 = vector.broadcast %get3A_40 : vector<1x64xf32> to vector<4096x64xf32>
    %add3A_42 = arith.addf %mul3A_37, %add3A_41 : vector<4096x64xf32>
    %max3A_43 = arith.constant 0.000000e+00 : f32
    %max3A_44 = vector.broadcast %max3A_43 : f32 to vector<4096x64xf32>
    %max3A_45 = arith.maximumf %add3A_42, %max3A_44 : vector<4096x64xf32>
    %convert_element_type3A_46 = arith.truncf %max3A_45 : vector<4096x64xf32> to vector<4096x64xbf16>
    %get3A_47 = arith.constant 0 : index
    %get3A_48 = arith.constant 0 : index
    %get3A_49 = vector.load %arg7[%get3A_47, %get3A_48] : memref<64x64xf32, #tpu.memory_space<vmem>>, vector<64x64xf32>
    %convert_element_type3A_50 = arith.truncf %get3A_49 : vector<64x64xf32> to vector<64x64xbf16>
    %dot_general3A_51 = arith.constant dense<0.000000e+00> : vector<4096x64xf32>
    %dot_general3A_52 = tpu.matmul %convert_element_type3A_46, %convert_element_type3A_50, %dot_general3A_51 {dimension_numbers = #tpu.dot_dimension_numbers<[1], [0], [0], [1], [0, 0, 1, 1], [], []>, transpose_lhs_hint = false} : vector<4096x64xbf16>, vector<64x64xbf16>, vector<4096x64xf32> -> vector<4096x64xf32>
    %get3A_53 = arith.constant 0 : index
    %get3A_54 = arith.constant 0 : index
    %get3A_55 = vector.load %arg12[%get3A_53, %get3A_54] : memref<1x64xf32, #tpu.memory_space<vmem>>, vector<1x64xf32>
    %mul3A_56 = vector.broadcast %get3A_55 : vector<1x64xf32> to vector<4096x64xf32>
    %mul3A_57 = arith.mulf %dot_general3A_52, %mul3A_56 : vector<4096x64xf32>
    %get3A_58 = arith.constant 0 : index
    %get3A_59 = arith.constant 0 : index
    %get3A_60 = vector.load %arg13[%get3A_58, %get3A_59] : memref<1x64xf32, #tpu.memory_space<vmem>>, vector<1x64xf32>
    %add3A_61 = vector.broadcast %get3A_60 : vector<1x64xf32> to vector<4096x64xf32>
    %add3A_62 = arith.addf %mul3A_57, %add3A_61 : vector<4096x64xf32>
    %max3A_63 = arith.constant 0.000000e+00 : f32
    %max3A_64 = vector.broadcast %max3A_63 : f32 to vector<4096x64xf32>
    %max3A_65 = arith.maximumf %add3A_62, %max3A_64 : vector<4096x64xf32>
    %swap3A = arith.constant 0 : index
    %swap3A_66 = arith.constant 0 : index
    %swap3A_67 = vector.load %arg15[%swap3A, %swap3A_66] : memref<4096x64xf32, #tpu.memory_space<vmem>>, vector<4096x64xf32>
    tpu.vector_store %arg15[%swap3A, %swap3A_66], %max3A_65 {strides = array<i32>} : memref<4096x64xf32, #tpu.memory_space<vmem>>, vector<4096x64xf32>,
    %scan3A = arith.constant 0 : i32
    %scan3A_68 = arith.constant 128 : i32
    %scan3A_69 = arith.addi %scan3A, %scan3A_68 : i32
    %scan3A_70 = arith.constant 16 : i32
    scf.for %scan3A_72 = %scan3A to %scan3A_69 step %scan3A_70  : i32 {
      %mul3A_73 = arith.constant 32 : i32
      %mul3A_74 = arith.muli %scan3A_72, %mul3A_73 : i32
      %get3A_75 = arith.constant 0 : index
      %get3A_76 = arith.index_cast %mul3A_74 : i32 to index
      %get3A_77 = arith.constant 0 : index
      %get3A_78 = vector.load %arg4[%get3A_75, %get3A_76, %get3A_77] : memref<1x4096x128xf32, #tpu.memory_space<vmem>>, vector<1x32x128xf32>
      %get3A_79 = vector.shape_cast %get3A_78 : vector<1x32x128xf32> to vector<32x128xf32>
      %convert_element_type3A_80 = arith.truncf %get3A_79 : vector<32x128xf32> to vector<32x128xbf16>
      %mul3A_81 = arith.constant 32 : i32
      %mul3A_82 = arith.muli %scan3A_72, %mul3A_81 : i32
      %get3A_83 = arith.index_cast %mul3A_82 : i32 to index
      %get3A_84 = arith.constant 0 : index
      %get3A_85 = vector.load %arg15[%get3A_83, %get3A_84] : memref<4096x64xf32, #tpu.memory_space<vmem>>, vector<32x64xf32>
      %convert_element_type3A_86 = arith.truncf %get3A_85 : vector<32x64xf32> to vector<32x64xbf16>
      %dot_general3A_87 = arith.constant dense<0.000000e+00> : vector<128x64xf32>
      %dot_general3A_88 = tpu.matmul %convert_element_type3A_80, %convert_element_type3A_86, %dot_general3A_87 {dimension_numbers = #tpu.dot_dimension_numbers<[0], [0], [1], [1], [0, 1, 1, 1], [], []>, transpose_lhs_hint = false} : vector<32x128xbf16>, vector<32x64xbf16>, vector<128x64xf32> -> vector<128x64xf32>
      %mul3A_89 = arith.constant 128 : i32
      %mul3A_90 = arith.muli %scan3A_72, %mul3A_89 : i32
      %swap3A_91 = arith.constant 0 : index
      %swap3A_92 = arith.index_cast %mul3A_90 : i32 to index
      %swap3A_93 = arith.constant 0 : index
      %swap3A_94 = vector.load %arg14[%swap3A_91, %swap3A_92, %swap3A_93] : memref<1x16384x64xf32, #tpu.memory_space<vmem>>, vector<1x128x64xf32>
      %swap3A_95 = vector.shape_cast %swap3A_94 : vector<1x128x64xf32> to vector<128x64xf32>
      %swap3A_96 = vector.shape_cast %dot_general3A_88 : vector<128x64xf32> to vector<1x128x64xf32>
      tpu.vector_store %arg14[%swap3A_91, %swap3A_92, %swap3A_93], %swap3A_96 {strides = array<i32>} : memref<1x16384x64xf32, #tpu.memory_space<vmem>>, vector<1x128x64xf32>,
      %scan3A_97 = arith.constant 1 : i32
      %scan3A_98 = arith.addi %scan3A_72, %scan3A_97 : i32
      %mul3A_99 = arith.constant 32 : i32
      %mul3A_100 = arith.muli %scan3A_98, %mul3A_99 : i32
      %get3A_101 = arith.constant 0 : index
      %get3A_102 = arith.index_cast %mul3A_100 : i32 to index
      %get3A_103 = arith.constant 0 : index
      %get3A_104 = vector.load %arg4[%get3A_101, %get3A_102, %get3A_103] : memref<1x4096x128xf32, #tpu.memory_space<vmem>>, vector<1x32x128xf32>
      %get3A_105 = vector.shape_cast %get3A_104 : vector<1x32x128xf32> to vector<32x128xf32>
      %convert_element_type3A_106 = arith.truncf %get3A_105 : vector<32x128xf32> to vector<32x128xbf16>
      %mul3A_107 = arith.constant 32 : i32
      %mul3A_108 = arith.muli %scan3A_98, %mul3A_107 : i32
      %get3A_109 = arith.index_cast %mul3A_108 : i32 to index
      %get3A_110 = arith.constant 0 : index
      %get3A_111 = vector.load %arg15[%get3A_109, %get3A_110] : memref<4096x64xf32, #tpu.memory_space<vmem>>, vector<32x64xf32>
      %convert_element_type3A_112 = arith.truncf %get3A_111 : vector<32x64xf32> to vector<32x64xbf16>
      %dot_general3A_113 = arith.constant dense<0.000000e+00> : vector<128x64xf32>
      %dot_general3A_114 = tpu.matmul %convert_element_type3A_106, %convert_element_type3A_112, %dot_general3A_113 {dimension_numbers = #tpu.dot_dimension_numbers<[0], [0], [1], [1], [0, 1, 1, 1], [], []>, transpose_lhs_hint = false} : vector<32x128xbf16>, vector<32x64xbf16>, vector<128x64xf32> -> vector<128x64xf32>
      %mul3A_115 = arith.constant 128 : i32
      %mul3A_116 = arith.muli %scan3A_98, %mul3A_115 : i32
      %swap3A_117 = arith.constant 0 : index
      %swap3A_118 = arith.index_cast %mul3A_116 : i32 to index
      %swap3A_119 = arith.constant 0 : index
      %swap3A_120 = vector.load %arg14[%swap3A_117, %swap3A_118, %swap3A_119] : memref<1x16384x64xf32, #tpu.memory_space<vmem>>, vector<1x128x64xf32>
      %swap3A_121 = vector.shape_cast %swap3A_120 : vector<1x128x64xf32> to vector<128x64xf32>
      %swap3A_122 = vector.shape_cast %dot_general3A_114 : vector<128x64xf32> to vector<1x128x64xf32>
      tpu.vector_store %arg14[%swap3A_117, %swap3A_118, %swap3A_119], %swap3A_122 {strides = array<i32>} : memref<1x16384x64xf32, #tpu.memory_space<vmem>>, vector<1x128x64xf32>,
      %scan3A_123 = arith.constant 2 : i32
      %scan3A_124 = arith.addi %scan3A_72, %scan3A_123 : i32
      %mul3A_125 = arith.constant 32 : i32
      %mul3A_126 = arith.muli %scan3A_124, %mul3A_125 : i32
      %get3A_127 = arith.constant 0 : index
      %get3A_128 = arith.index_cast %mul3A_126 : i32 to index
      %get3A_129 = arith.constant 0 : index
      %get3A_130 = vector.load %arg4[%get3A_127, %get3A_128, %get3A_129] : memref<1x4096x128xf32, #tpu.memory_space<vmem>>, vector<1x32x128xf32>
      %get3A_131 = vector.shape_cast %get3A_130 : vector<1x32x128xf32> to vector<32x128xf32>
      %convert_element_type3A_132 = arith.truncf %get3A_131 : vector<32x128xf32> to vector<32x128xbf16>
      %mul3A_133 = arith.constant 32 : i32
      %mul3A_134 = arith.muli %scan3A_124, %mul3A_133 : i32
      %get3A_135 = arith.index_cast %mul3A_134 : i32 to index
      %get3A_136 = arith.constant 0 : index
      %get3A_137 = vector.load %arg15[%get3A_135, %get3A_136] : memref<4096x64xf32, #tpu.memory_space<vmem>>, vector<32x64xf32>
      %convert_element_type3A_138 = arith.truncf %get3A_137 : vector<32x64xf32> to vector<32x64xbf16>
      %dot_general3A_139 = arith.constant dense<0.000000e+00> : vector<128x64xf32>
      %dot_general3A_140 = tpu.matmul %convert_element_type3A_132, %convert_element_type3A_138, %dot_general3A_139 {dimension_numbers = #tpu.dot_dimension_numbers<[0], [0], [1], [1], [0, 1, 1, 1], [], []>, transpose_lhs_hint = false} : vector<32x128xbf16>, vector<32x64xbf16>, vector<128x64xf32> -> vector<128x64xf32>
      %mul3A_141 = arith.constant 128 : i32
      %mul3A_142 = arith.muli %scan3A_124, %mul3A_141 : i32
      %swap3A_143 = arith.constant 0 : index
      %swap3A_144 = arith.index_cast %mul3A_142 : i32 to index
      %swap3A_145 = arith.constant 0 : index
      %swap3A_146 = vector.load %arg14[%swap3A_143, %swap3A_144, %swap3A_145] : memref<1x16384x64xf32, #tpu.memory_space<vmem>>, vector<1x128x64xf32>
      %swap3A_147 = vector.shape_cast %swap3A_146 : vector<1x128x64xf32> to vector<128x64xf32>
      %swap3A_148 = vector.shape_cast %dot_general3A_140 : vector<128x64xf32> to vector<1x128x64xf32>
      tpu.vector_store %arg14[%swap3A_143, %swap3A_144, %swap3A_145], %swap3A_148 {strides = array<i32>} : memref<1x16384x64xf32, #tpu.memory_space<vmem>>, vector<1x128x64xf32>,
      %scan3A_149 = arith.constant 3 : i32
      %scan3A_150 = arith.addi %scan3A_72, %scan3A_149 : i32
      %mul3A_151 = arith.constant 32 : i32
      %mul3A_152 = arith.muli %scan3A_150, %mul3A_151 : i32
      %get3A_153 = arith.constant 0 : index
      %get3A_154 = arith.index_cast %mul3A_152 : i32 to index
      %get3A_155 = arith.constant 0 : index
      %get3A_156 = vector.load %arg4[%get3A_153, %get3A_154, %get3A_155] : memref<1x4096x128xf32, #tpu.memory_space<vmem>>, vector<1x32x128xf32>
      %get3A_157 = vector.shape_cast %get3A_156 : vector<1x32x128xf32> to vector<32x128xf32>
      %convert_element_type3A_158 = arith.truncf %get3A_157 : vector<32x128xf32> to vector<32x128xbf16>
      %mul3A_159 = arith.constant 32 : i32
      %mul3A_160 = arith.muli %scan3A_150, %mul3A_159 : i32
      %get3A_161 = arith.index_cast %mul3A_160 : i32 to index
      %get3A_162 = arith.constant 0 : index
      %get3A_163 = vector.load %arg15[%get3A_161, %get3A_162] : memref<4096x64xf32, #tpu.memory_space<vmem>>, vector<32x64xf32>
      %convert_element_type3A_164 = arith.truncf %get3A_163 : vector<32x64xf32> to vector<32x64xbf16>
      %dot_general3A_165 = arith.constant dense<0.000000e+00> : vector<128x64xf32>
      %dot_general3A_166 = tpu.matmul %convert_element_type3A_158, %convert_element_type3A_164, %dot_general3A_165 {dimension_numbers = #tpu.dot_dimension_numbers<[0], [0], [1], [1], [0, 1, 1, 1], [], []>, transpose_lhs_hint = false} : vector<32x128xbf16>, vector<32x64xbf16>, vector<128x64xf32> -> vector<128x64xf32>
      %mul3A_167 = arith.constant 128 : i32
      %mul3A_168 = arith.muli %scan3A_150, %mul3A_167 : i32
      %swap3A_169 = arith.constant 0 : index
      %swap3A_170 = arith.index_cast %mul3A_168 : i32 to index
      %swap3A_171 = arith.constant 0 : index
      %swap3A_172 = vector.load %arg14[%swap3A_169, %swap3A_170, %swap3A_171] : memref<1x16384x64xf32, #tpu.memory_space<vmem>>, vector<1x128x64xf32>
      %swap3A_173 = vector.shape_cast %swap3A_172 : vector<1x128x64xf32> to vector<128x64xf32>
      %swap3A_174 = vector.shape_cast %dot_general3A_166 : vector<128x64xf32> to vector<1x128x64xf32>
      tpu.vector_store %arg14[%swap3A_169, %swap3A_170, %swap3A_171], %swap3A_174 {strides = array<i32>} : memref<1x16384x64xf32, #tpu.memory_space<vmem>>, vector<1x128x64xf32>,
      %scan3A_175 = arith.constant 4 : i32
      %scan3A_176 = arith.addi %scan3A_72, %scan3A_175 : i32
      %mul3A_177 = arith.constant 32 : i32
      %mul3A_178 = arith.muli %scan3A_176, %mul3A_177 : i32
      %get3A_179 = arith.constant 0 : index
      %get3A_180 = arith.index_cast %mul3A_178 : i32 to index
      %get3A_181 = arith.constant 0 : index
      %get3A_182 = vector.load %arg4[%get3A_179, %get3A_180, %get3A_181] : memref<1x4096x128xf32, #tpu.memory_space<vmem>>, vector<1x32x128xf32>
      %get3A_183 = vector.shape_cast %get3A_182 : vector<1x32x128xf32> to vector<32x128xf32>
      %convert_element_type3A_184 = arith.truncf %get3A_183 : vector<32x128xf32> to vector<32x128xbf16>
      %mul3A_185 = arith.constant 32 : i32
      %mul3A_186 = arith.muli %scan3A_176, %mul3A_185 : i32
      %get3A_187 = arith.index_cast %mul3A_186 : i32 to index
      %get3A_188 = arith.constant 0 : index
      %get3A_189 = vector.load %arg15[%get3A_187, %get3A_188] : memref<4096x64xf32, #tpu.memory_space<vmem>>, vector<32x64xf32>
      %convert_element_type3A_190 = arith.truncf %get3A_189 : vector<32x64xf32> to vector<32x64xbf16>
      %dot_general3A_191 = arith.constant dense<0.000000e+00> : vector<128x64xf32>
      %dot_general3A_192 = tpu.matmul %convert_element_type3A_184, %convert_element_type3A_190, %dot_general3A_191 {dimension_numbers = #tpu.dot_dimension_numbers<[0], [0], [1], [1], [0, 1, 1, 1], [], []>, transpose_lhs_hint = false} : vector<32x128xbf16>, vector<32x64xbf16>, vector<128x64xf32> -> vector<128x64xf32>
      %mul3A_193 = arith.constant 128 : i32
      %mul3A_194 = arith.muli %scan3A_176, %mul3A_193 : i32
      %swap3A_195 = arith.constant 0 : index
      %swap3A_196 = arith.index_cast %mul3A_194 : i32 to index
      %swap3A_197 = arith.constant 0 : index
      %swap3A_198 = vector.load %arg14[%swap3A_195, %swap3A_196, %swap3A_197] : memref<1x16384x64xf32, #tpu.memory_space<vmem>>, vector<1x128x64xf32>
      %swap3A_199 = vector.shape_cast %swap3A_198 : vector<1x128x64xf32> to vector<128x64xf32>
      %swap3A_200 = vector.shape_cast %dot_general3A_192 : vector<128x64xf32> to vector<1x128x64xf32>
      tpu.vector_store %arg14[%swap3A_195, %swap3A_196, %swap3A_197], %swap3A_200 {strides = array<i32>} : memref<1x16384x64xf32, #tpu.memory_space<vmem>>, vector<1x128x64xf32>,
      %scan3A_201 = arith.constant 5 : i32
      %scan3A_202 = arith.addi %scan3A_72, %scan3A_201 : i32
      %mul3A_203 = arith.constant 32 : i32
      %mul3A_204 = arith.muli %scan3A_202, %mul3A_203 : i32
      %get3A_205 = arith.constant 0 : index
      %get3A_206 = arith.index_cast %mul3A_204 : i32 to index
      %get3A_207 = arith.constant 0 : index
      %get3A_208 = vector.load %arg4[%get3A_205, %get3A_206, %get3A_207] : memref<1x4096x128xf32, #tpu.memory_space<vmem>>, vector<1x32x128xf32>
      %get3A_209 = vector.shape_cast %get3A_208 : vector<1x32x128xf32> to vector<32x128xf32>
      %convert_element_type3A_210 = arith.truncf %get3A_209 : vector<32x128xf32> to vector<32x128xbf16>
      %mul3A_211 = arith.constant 32 : i32
      %mul3A_212 = arith.muli %scan3A_202, %mul3A_211 : i32
      %get3A_213 = arith.index_cast %mul3A_212 : i32 to index
      %get3A_214 = arith.constant 0 : index
      %get3A_215 = vector.load %arg15[%get3A_213, %get3A_214] : memref<4096x64xf32, #tpu.memory_space<vmem>>, vector<32x64xf32>
      %convert_element_type3A_216 = arith.truncf %get3A_215 : vector<32x64xf32> to vector<32x64xbf16>
      %dot_general3A_217 = arith.constant dense<0.000000e+00> : vector<128x64xf32>
      %dot_general3A_218 = tpu.matmul %convert_element_type3A_210, %convert_element_type3A_216, %dot_general3A_217 {dimension_numbers = #tpu.dot_dimension_numbers<[0], [0], [1], [1], [0, 1, 1, 1], [], []>, transpose_lhs_hint = false} : vector<32x128xbf16>, vector<32x64xbf16>, vector<128x64xf32> -> vector<128x64xf32>
      %mul3A_219 = arith.constant 128 : i32
      %mul3A_220 = arith.muli %scan3A_202, %mul3A_219 : i32
      %swap3A_221 = arith.constant 0 : index
      %swap3A_222 = arith.index_cast %mul3A_220 : i32 to index
      %swap3A_223 = arith.constant 0 : index
      %swap3A_224 = vector.load %arg14[%swap3A_221, %swap3A_222, %swap3A_223] : memref<1x16384x64xf32, #tpu.memory_space<vmem>>, vector<1x128x64xf32>
      %swap3A_225 = vector.shape_cast %swap3A_224 : vector<1x128x64xf32> to vector<128x64xf32>
      %swap3A_226 = vector.shape_cast %dot_general3A_218 : vector<128x64xf32> to vector<1x128x64xf32>
      tpu.vector_store %arg14[%swap3A_221, %swap3A_222, %swap3A_223], %swap3A_226 {strides = array<i32>} : memref<1x16384x64xf32, #tpu.memory_space<vmem>>, vector<1x128x64xf32>,
      %scan3A_227 = arith.constant 6 : i32
      %scan3A_228 = arith.addi %scan3A_72, %scan3A_227 : i32
      %mul3A_229 = arith.constant 32 : i32
      %mul3A_230 = arith.muli %scan3A_228, %mul3A_229 : i32
      %get3A_231 = arith.constant 0 : index
      %get3A_232 = arith.index_cast %mul3A_230 : i32 to index
      %get3A_233 = arith.constant 0 : index
      %get3A_234 = vector.load %arg4[%get3A_231, %get3A_232, %get3A_233] : memref<1x4096x128xf32, #tpu.memory_space<vmem>>, vector<1x32x128xf32>
      %get3A_235 = vector.shape_cast %get3A_234 : vector<1x32x128xf32> to vector<32x128xf32>
      %convert_element_type3A_236 = arith.truncf %get3A_235 : vector<32x128xf32> to vector<32x128xbf16>
      %mul3A_237 = arith.constant 32 : i32
      %mul3A_238 = arith.muli %scan3A_228, %mul3A_237 : i32
      %get3A_239 = arith.index_cast %mul3A_238 : i32 to index
      %get3A_240 = arith.constant 0 : index
      %get3A_241 = vector.load %arg15[%get3A_239, %get3A_240] : memref<4096x64xf32, #tpu.memory_space<vmem>>, vector<32x64xf32>
      %convert_element_type3A_242 = arith.truncf %get3A_241 : vector<32x64xf32> to vector<32x64xbf16>
      %dot_general3A_243 = arith.constant dense<0.000000e+00> : vector<128x64xf32>
      %dot_general3A_244 = tpu.matmul %convert_element_type3A_236, %convert_element_type3A_242, %dot_general3A_243 {dimension_numbers = #tpu.dot_dimension_numbers<[0], [0], [1], [1], [0, 1, 1, 1], [], []>, transpose_lhs_hint = false} : vector<32x128xbf16>, vector<32x64xbf16>, vector<128x64xf32> -> vector<128x64xf32>
      %mul3A_245 = arith.constant 128 : i32
      %mul3A_246 = arith.muli %scan3A_228, %mul3A_245 : i32
      %swap3A_247 = arith.constant 0 : index
      %swap3A_248 = arith.index_cast %mul3A_246 : i32 to index
      %swap3A_249 = arith.constant 0 : index
      %swap3A_250 = vector.load %arg14[%swap3A_247, %swap3A_248, %swap3A_249] : memref<1x16384x64xf32, #tpu.memory_space<vmem>>, vector<1x128x64xf32>
      %swap3A_251 = vector.shape_cast %swap3A_250 : vector<1x128x64xf32> to vector<128x64xf32>
      %swap3A_252 = vector.shape_cast %dot_general3A_244 : vector<128x64xf32> to vector<1x128x64xf32>
      tpu.vector_store %arg14[%swap3A_247, %swap3A_248, %swap3A_249], %swap3A_252 {strides = array<i32>} : memref<1x16384x64xf32, #tpu.memory_space<vmem>>, vector<1x128x64xf32>,
      %scan3A_253 = arith.constant 7 : i32
      %scan3A_254 = arith.addi %scan3A_72, %scan3A_253 : i32
      %mul3A_255 = arith.constant 32 : i32
      %mul3A_256 = arith.muli %scan3A_254, %mul3A_255 : i32
      %get3A_257 = arith.constant 0 : index
      %get3A_258 = arith.index_cast %mul3A_256 : i32 to index
      %get3A_259 = arith.constant 0 : index
      %get3A_260 = vector.load %arg4[%get3A_257, %get3A_258, %get3A_259] : memref<1x4096x128xf32, #tpu.memory_space<vmem>>, vector<1x32x128xf32>
      %get3A_261 = vector.shape_cast %get3A_260 : vector<1x32x128xf32> to vector<32x128xf32>
      %convert_element_type3A_262 = arith.truncf %get3A_261 : vector<32x128xf32> to vector<32x128xbf16>
      %mul3A_263 = arith.constant 32 : i32
      %mul3A_264 = arith.muli %scan3A_254, %mul3A_263 : i32
      %get3A_265 = arith.index_cast %mul3A_264 : i32 to index
      %get3A_266 = arith.constant 0 : index
      %get3A_267 = vector.load %arg15[%get3A_265, %get3A_266] : memref<4096x64xf32, #tpu.memory_space<vmem>>, vector<32x64xf32>
      %convert_element_type3A_268 = arith.truncf %get3A_267 : vector<32x64xf32> to vector<32x64xbf16>
      %dot_general3A_269 = arith.constant dense<0.000000e+00> : vector<128x64xf32>
      %dot_general3A_270 = tpu.matmul %convert_element_type3A_262, %convert_element_type3A_268, %dot_general3A_269 {dimension_numbers = #tpu.dot_dimension_numbers<[0], [0], [1], [1], [0, 1, 1, 1], [], []>, transpose_lhs_hint = false} : vector<32x128xbf16>, vector<32x64xbf16>, vector<128x64xf32> -> vector<128x64xf32>
      %mul3A_271 = arith.constant 128 : i32
      %mul3A_272 = arith.muli %scan3A_254, %mul3A_271 : i32
      %swap3A_273 = arith.constant 0 : index
      %swap3A_274 = arith.index_cast %mul3A_272 : i32 to index
      %swap3A_275 = arith.constant 0 : index
      %swap3A_276 = vector.load %arg14[%swap3A_273, %swap3A_274, %swap3A_275] : memref<1x16384x64xf32, #tpu.memory_space<vmem>>, vector<1x128x64xf32>
      %swap3A_277 = vector.shape_cast %swap3A_276 : vector<1x128x64xf32> to vector<128x64xf32>
      %swap3A_278 = vector.shape_cast %dot_general3A_270 : vector<128x64xf32> to vector<1x128x64xf32>
      tpu.vector_store %arg14[%swap3A_273, %swap3A_274, %swap3A_275], %swap3A_278 {strides = array<i32>} : memref<1x16384x64xf32, #tpu.memory_space<vmem>>, vector<1x128x64xf32>,
      %scan3A_279 = arith.constant 8 : i32
      %scan3A_280 = arith.addi %scan3A_72, %scan3A_279 : i32
      %mul3A_281 = arith.constant 32 : i32
      %mul3A_282 = arith.muli %scan3A_280, %mul3A_281 : i32
      %get3A_283 = arith.constant 0 : index
      %get3A_284 = arith.index_cast %mul3A_282 : i32 to index
      %get3A_285 = arith.constant 0 : index
      %get3A_286 = vector.load %arg4[%get3A_283, %get3A_284, %get3A_285] : memref<1x4096x128xf32, #tpu.memory_space<vmem>>, vector<1x32x128xf32>
      %get3A_287 = vector.shape_cast %get3A_286 : vector<1x32x128xf32> to vector<32x128xf32>
      %convert_element_type3A_288 = arith.truncf %get3A_287 : vector<32x128xf32> to vector<32x128xbf16>
      %mul3A_289 = arith.constant 32 : i32
      %mul3A_290 = arith.muli %scan3A_280, %mul3A_289 : i32
      %get3A_291 = arith.index_cast %mul3A_290 : i32 to index
      %get3A_292 = arith.constant 0 : index
      %get3A_293 = vector.load %arg15[%get3A_291, %get3A_292] : memref<4096x64xf32, #tpu.memory_space<vmem>>, vector<32x64xf32>
      %convert_element_type3A_294 = arith.truncf %get3A_293 : vector<32x64xf32> to vector<32x64xbf16>
      %dot_general3A_295 = arith.constant dense<0.000000e+00> : vector<128x64xf32>
      %dot_general3A_296 = tpu.matmul %convert_element_type3A_288, %convert_element_type3A_294, %dot_general3A_295 {dimension_numbers = #tpu.dot_dimension_numbers<[0], [0], [1], [1], [0, 1, 1, 1], [], []>, transpose_lhs_hint = false} : vector<32x128xbf16>, vector<32x64xbf16>, vector<128x64xf32> -> vector<128x64xf32>
      %mul3A_297 = arith.constant 128 : i32
      %mul3A_298 = arith.muli %scan3A_280, %mul3A_297 : i32
      %swap3A_299 = arith.constant 0 : index
      %swap3A_300 = arith.index_cast %mul3A_298 : i32 to index
      %swap3A_301 = arith.constant 0 : index
      %swap3A_302 = vector.load %arg14[%swap3A_299, %swap3A_300, %swap3A_301] : memref<1x16384x64xf32, #tpu.memory_space<vmem>>, vector<1x128x64xf32>
      %swap3A_303 = vector.shape_cast %swap3A_302 : vector<1x128x64xf32> to vector<128x64xf32>
      %swap3A_304 = vector.shape_cast %dot_general3A_296 : vector<128x64xf32> to vector<1x128x64xf32>
      tpu.vector_store %arg14[%swap3A_299, %swap3A_300, %swap3A_301], %swap3A_304 {strides = array<i32>} : memref<1x16384x64xf32, #tpu.memory_space<vmem>>, vector<1x128x64xf32>,
      %scan3A_305 = arith.constant 9 : i32
      %scan3A_306 = arith.addi %scan3A_72, %scan3A_305 : i32
      %mul3A_307 = arith.constant 32 : i32
      %mul3A_308 = arith.muli %scan3A_306, %mul3A_307 : i32
      %get3A_309 = arith.constant 0 : index
      %get3A_310 = arith.index_cast %mul3A_308 : i32 to index
      %get3A_311 = arith.constant 0 : index
      %get3A_312 = vector.load %arg4[%get3A_309, %get3A_310, %get3A_311] : memref<1x4096x128xf32, #tpu.memory_space<vmem>>, vector<1x32x128xf32>
      %get3A_313 = vector.shape_cast %get3A_312 : vector<1x32x128xf32> to vector<32x128xf32>
      %convert_element_type3A_314 = arith.truncf %get3A_313 : vector<32x128xf32> to vector<32x128xbf16>
      %mul3A_315 = arith.constant 32 : i32
      %mul3A_316 = arith.muli %scan3A_306, %mul3A_315 : i32
      %get3A_317 = arith.index_cast %mul3A_316 : i32 to index
      %get3A_318 = arith.constant 0 : index
      %get3A_319 = vector.load %arg15[%get3A_317, %get3A_318] : memref<4096x64xf32, #tpu.memory_space<vmem>>, vector<32x64xf32>
      %convert_element_type3A_320 = arith.truncf %get3A_319 : vector<32x64xf32> to vector<32x64xbf16>
      %dot_general3A_321 = arith.constant dense<0.000000e+00> : vector<128x64xf32>
      %dot_general3A_322 = tpu.matmul %convert_element_type3A_314, %convert_element_type3A_320, %dot_general3A_321 {dimension_numbers = #tpu.dot_dimension_numbers<[0], [0], [1], [1], [0, 1, 1, 1], [], []>, transpose_lhs_hint = false} : vector<32x128xbf16>, vector<32x64xbf16>, vector<128x64xf32> -> vector<128x64xf32>
      %mul3A_323 = arith.constant 128 : i32
      %mul3A_324 = arith.muli %scan3A_306, %mul3A_323 : i32
      %swap3A_325 = arith.constant 0 : index
      %swap3A_326 = arith.index_cast %mul3A_324 : i32 to index
      %swap3A_327 = arith.constant 0 : index
      %swap3A_328 = vector.load %arg14[%swap3A_325, %swap3A_326, %swap3A_327] : memref<1x16384x64xf32, #tpu.memory_space<vmem>>, vector<1x128x64xf32>
      %swap3A_329 = vector.shape_cast %swap3A_328 : vector<1x128x64xf32> to vector<128x64xf32>
      %swap3A_330 = vector.shape_cast %dot_general3A_322 : vector<128x64xf32> to vector<1x128x64xf32>
      tpu.vector_store %arg14[%swap3A_325, %swap3A_326, %swap3A_327], %swap3A_330 {strides = array<i32>} : memref<1x16384x64xf32, #tpu.memory_space<vmem>>, vector<1x128x64xf32>,
      %scan3A_331 = arith.constant 10 : i32
      %scan3A_332 = arith.addi %scan3A_72, %scan3A_331 : i32
      %mul3A_333 = arith.constant 32 : i32
      %mul3A_334 = arith.muli %scan3A_332, %mul3A_333 : i32
      %get3A_335 = arith.constant 0 : index
      %get3A_336 = arith.index_cast %mul3A_334 : i32 to index
      %get3A_337 = arith.constant 0 : index
      %get3A_338 = vector.load %arg4[%get3A_335, %get3A_336, %get3A_337] : memref<1x4096x128xf32, #tpu.memory_space<vmem>>, vector<1x32x128xf32>
      %get3A_339 = vector.shape_cast %get3A_338 : vector<1x32x128xf32> to vector<32x128xf32>
      %convert_element_type3A_340 = arith.truncf %get3A_339 : vector<32x128xf32> to vector<32x128xbf16>
      %mul3A_341 = arith.constant 32 : i32
      %mul3A_342 = arith.muli %scan3A_332, %mul3A_341 : i32
      %get3A_343 = arith.index_cast %mul3A_342 : i32 to index
      %get3A_344 = arith.constant 0 : index
      %get3A_345 = vector.load %arg15[%get3A_343, %get3A_344] : memref<4096x64xf32, #tpu.memory_space<vmem>>, vector<32x64xf32>
      %convert_element_type3A_346 = arith.truncf %get3A_345 : vector<32x64xf32> to vector<32x64xbf16>
      %dot_general3A_347 = arith.constant dense<0.000000e+00> : vector<128x64xf32>
      %dot_general3A_348 = tpu.matmul %convert_element_type3A_340, %convert_element_type3A_346, %dot_general3A_347 {dimension_numbers = #tpu.dot_dimension_numbers<[0], [0], [1], [1], [0, 1, 1, 1], [], []>, transpose_lhs_hint = false} : vector<32x128xbf16>, vector<32x64xbf16>, vector<128x64xf32> -> vector<128x64xf32>
      %mul3A_349 = arith.constant 128 : i32
      %mul3A_350 = arith.muli %scan3A_332, %mul3A_349 : i32
      %swap3A_351 = arith.constant 0 : index
      %swap3A_352 = arith.index_cast %mul3A_350 : i32 to index
      %swap3A_353 = arith.constant 0 : index
      %swap3A_354 = vector.load %arg14[%swap3A_351, %swap3A_352, %swap3A_353] : memref<1x16384x64xf32, #tpu.memory_space<vmem>>, vector<1x128x64xf32>
      %swap3A_355 = vector.shape_cast %swap3A_354 : vector<1x128x64xf32> to vector<128x64xf32>
      %swap3A_356 = vector.shape_cast %dot_general3A_348 : vector<128x64xf32> to vector<1x128x64xf32>
      tpu.vector_store %arg14[%swap3A_351, %swap3A_352, %swap3A_353], %swap3A_356 {strides = array<i32>} : memref<1x16384x64xf32, #tpu.memory_space<vmem>>, vector<1x128x64xf32>,
      %scan3A_357 = arith.constant 11 : i32
      %scan3A_358 = arith.addi %scan3A_72, %scan3A_357 : i32
      %mul3A_359 = arith.constant 32 : i32
      %mul3A_360 = arith.muli %scan3A_358, %mul3A_359 : i32
      %get3A_361 = arith.constant 0 : index
      %get3A_362 = arith.index_cast %mul3A_360 : i32 to index
      %get3A_363 = arith.constant 0 : index
      %get3A_364 = vector.load %arg4[%get3A_361, %get3A_362, %get3A_363] : memref<1x4096x128xf32, #tpu.memory_space<vmem>>, vector<1x32x128xf32>
      %get3A_365 = vector.shape_cast %get3A_364 : vector<1x32x128xf32> to vector<32x128xf32>
      %convert_element_type3A_366 = arith.truncf %get3A_365 : vector<32x128xf32> to vector<32x128xbf16>
      %mul3A_367 = arith.constant 32 : i32
      %mul3A_368 = arith.muli %scan3A_358, %mul3A_367 : i32
      %get3A_369 = arith.index_cast %mul3A_368 : i32 to index
      %get3A_370 = arith.constant 0 : index
      %get3A_371 = vector.load %arg15[%get3A_369, %get3A_370] : memref<4096x64xf32, #tpu.memory_space<vmem>>, vector<32x64xf32>
      %convert_element_type3A_372 = arith.truncf %get3A_371 : vector<32x64xf32> to vector<32x64xbf16>
      %dot_general3A_373 = arith.constant dense<0.000000e+00> : vector<128x64xf32>
      %dot_general3A_374 = tpu.matmul %convert_element_type3A_366, %convert_element_type3A_372, %dot_general3A_373 {dimension_numbers = #tpu.dot_dimension_numbers<[0], [0], [1], [1], [0, 1, 1, 1], [], []>, transpose_lhs_hint = false} : vector<32x128xbf16>, vector<32x64xbf16>, vector<128x64xf32> -> vector<128x64xf32>
      %mul3A_375 = arith.constant 128 : i32
      %mul3A_376 = arith.muli %scan3A_358, %mul3A_375 : i32
      %swap3A_377 = arith.constant 0 : index
      %swap3A_378 = arith.index_cast %mul3A_376 : i32 to index
      %swap3A_379 = arith.constant 0 : index
      %swap3A_380 = vector.load %arg14[%swap3A_377, %swap3A_378, %swap3A_379] : memref<1x16384x64xf32, #tpu.memory_space<vmem>>, vector<1x128x64xf32>
      %swap3A_381 = vector.shape_cast %swap3A_380 : vector<1x128x64xf32> to vector<128x64xf32>
      %swap3A_382 = vector.shape_cast %dot_general3A_374 : vector<128x64xf32> to vector<1x128x64xf32>
      tpu.vector_store %arg14[%swap3A_377, %swap3A_378, %swap3A_379], %swap3A_382 {strides = array<i32>} : memref<1x16384x64xf32, #tpu.memory_space<vmem>>, vector<1x128x64xf32>,
      %scan3A_383 = arith.constant 12 : i32
      %scan3A_384 = arith.addi %scan3A_72, %scan3A_383 : i32
      %mul3A_385 = arith.constant 32 : i32
      %mul3A_386 = arith.muli %scan3A_384, %mul3A_385 : i32
      %get3A_387 = arith.constant 0 : index
      %get3A_388 = arith.index_cast %mul3A_386 : i32 to index
      %get3A_389 = arith.constant 0 : index
      %get3A_390 = vector.load %arg4[%get3A_387, %get3A_388, %get3A_389] : memref<1x4096x128xf32, #tpu.memory_space<vmem>>, vector<1x32x128xf32>
      %get3A_391 = vector.shape_cast %get3A_390 : vector<1x32x128xf32> to vector<32x128xf32>
      %convert_element_type3A_392 = arith.truncf %get3A_391 : vector<32x128xf32> to vector<32x128xbf16>
      %mul3A_393 = arith.constant 32 : i32
      %mul3A_394 = arith.muli %scan3A_384, %mul3A_393 : i32
      %get3A_395 = arith.index_cast %mul3A_394 : i32 to index
      %get3A_396 = arith.constant 0 : index
      %get3A_397 = vector.load %arg15[%get3A_395, %get3A_396] : memref<4096x64xf32, #tpu.memory_space<vmem>>, vector<32x64xf32>
      %convert_element_type3A_398 = arith.truncf %get3A_397 : vector<32x64xf32> to vector<32x64xbf16>
      %dot_general3A_399 = arith.constant dense<0.000000e+00> : vector<128x64xf32>
      %dot_general3A_400 = tpu.matmul %convert_element_type3A_392, %convert_element_type3A_398, %dot_general3A_399 {dimension_numbers = #tpu.dot_dimension_numbers<[0], [0], [1], [1], [0, 1, 1, 1], [], []>, transpose_lhs_hint = false} : vector<32x128xbf16>, vector<32x64xbf16>, vector<128x64xf32> -> vector<128x64xf32>
      %mul3A_401 = arith.constant 128 : i32
      %mul3A_402 = arith.muli %scan3A_384, %mul3A_401 : i32
      %swap3A_403 = arith.constant 0 : index
      %swap3A_404 = arith.index_cast %mul3A_402 : i32 to index
      %swap3A_405 = arith.constant 0 : index
      %swap3A_406 = vector.load %arg14[%swap3A_403, %swap3A_404, %swap3A_405] : memref<1x16384x64xf32, #tpu.memory_space<vmem>>, vector<1x128x64xf32>
      %swap3A_407 = vector.shape_cast %swap3A_406 : vector<1x128x64xf32> to vector<128x64xf32>
      %swap3A_408 = vector.shape_cast %dot_general3A_400 : vector<128x64xf32> to vector<1x128x64xf32>
      tpu.vector_store %arg14[%swap3A_403, %swap3A_404, %swap3A_405], %swap3A_408 {strides = array<i32>} : memref<1x16384x64xf32, #tpu.memory_space<vmem>>, vector<1x128x64xf32>,
      %scan3A_409 = arith.constant 13 : i32
      %scan3A_410 = arith.addi %scan3A_72, %scan3A_409 : i32
      %mul3A_411 = arith.constant 32 : i32
      %mul3A_412 = arith.muli %scan3A_410, %mul3A_411 : i32
      %get3A_413 = arith.constant 0 : index
      %get3A_414 = arith.index_cast %mul3A_412 : i32 to index
      %get3A_415 = arith.constant 0 : index
      %get3A_416 = vector.load %arg4[%get3A_413, %get3A_414, %get3A_415] : memref<1x4096x128xf32, #tpu.memory_space<vmem>>, vector<1x32x128xf32>
      %get3A_417 = vector.shape_cast %get3A_416 : vector<1x32x128xf32> to vector<32x128xf32>
      %convert_element_type3A_418 = arith.truncf %get3A_417 : vector<32x128xf32> to vector<32x128xbf16>
      %mul3A_419 = arith.constant 32 : i32
      %mul3A_420 = arith.muli %scan3A_410, %mul3A_419 : i32
      %get3A_421 = arith.index_cast %mul3A_420 : i32 to index
      %get3A_422 = arith.constant 0 : index
      %get3A_423 = vector.load %arg15[%get3A_421, %get3A_422] : memref<4096x64xf32, #tpu.memory_space<vmem>>, vector<32x64xf32>
      %convert_element_type3A_424 = arith.truncf %get3A_423 : vector<32x64xf32> to vector<32x64xbf16>
      %dot_general3A_425 = arith.constant dense<0.000000e+00> : vector<128x64xf32>
      %dot_general3A_426 = tpu.matmul %convert_element_type3A_418, %convert_element_type3A_424, %dot_general3A_425 {dimension_numbers = #tpu.dot_dimension_numbers<[0], [0], [1], [1], [0, 1, 1, 1], [], []>, transpose_lhs_hint = false} : vector<32x128xbf16>, vector<32x64xbf16>, vector<128x64xf32> -> vector<128x64xf32>
      %mul3A_427 = arith.constant 128 : i32
      %mul3A_428 = arith.muli %scan3A_410, %mul3A_427 : i32
      %swap3A_429 = arith.constant 0 : index
      %swap3A_430 = arith.index_cast %mul3A_428 : i32 to index
      %swap3A_431 = arith.constant 0 : index
      %swap3A_432 = vector.load %arg14[%swap3A_429, %swap3A_430, %swap3A_431] : memref<1x16384x64xf32, #tpu.memory_space<vmem>>, vector<1x128x64xf32>
      %swap3A_433 = vector.shape_cast %swap3A_432 : vector<1x128x64xf32> to vector<128x64xf32>
      %swap3A_434 = vector.shape_cast %dot_general3A_426 : vector<128x64xf32> to vector<1x128x64xf32>
      tpu.vector_store %arg14[%swap3A_429, %swap3A_430, %swap3A_431], %swap3A_434 {strides = array<i32>} : memref<1x16384x64xf32, #tpu.memory_space<vmem>>, vector<1x128x64xf32>,
      %scan3A_435 = arith.constant 14 : i32
      %scan3A_436 = arith.addi %scan3A_72, %scan3A_435 : i32
      %mul3A_437 = arith.constant 32 : i32
      %mul3A_438 = arith.muli %scan3A_436, %mul3A_437 : i32
      %get3A_439 = arith.constant 0 : index
      %get3A_440 = arith.index_cast %mul3A_438 : i32 to index
      %get3A_441 = arith.constant 0 : index
      %get3A_442 = vector.load %arg4[%get3A_439, %get3A_440, %get3A_441] : memref<1x4096x128xf32, #tpu.memory_space<vmem>>, vector<1x32x128xf32>
      %get3A_443 = vector.shape_cast %get3A_442 : vector<1x32x128xf32> to vector<32x128xf32>
      %convert_element_type3A_444 = arith.truncf %get3A_443 : vector<32x128xf32> to vector<32x128xbf16>
      %mul3A_445 = arith.constant 32 : i32
      %mul3A_446 = arith.muli %scan3A_436, %mul3A_445 : i32
      %get3A_447 = arith.index_cast %mul3A_446 : i32 to index
      %get3A_448 = arith.constant 0 : index
      %get3A_449 = vector.load %arg15[%get3A_447, %get3A_448] : memref<4096x64xf32, #tpu.memory_space<vmem>>, vector<32x64xf32>
      %convert_element_type3A_450 = arith.truncf %get3A_449 : vector<32x64xf32> to vector<32x64xbf16>
      %dot_general3A_451 = arith.constant dense<0.000000e+00> : vector<128x64xf32>
      %dot_general3A_452 = tpu.matmul %convert_element_type3A_444, %convert_element_type3A_450, %dot_general3A_451 {dimension_numbers = #tpu.dot_dimension_numbers<[0], [0], [1], [1], [0, 1, 1, 1], [], []>, transpose_lhs_hint = false} : vector<32x128xbf16>, vector<32x64xbf16>, vector<128x64xf32> -> vector<128x64xf32>
      %mul3A_453 = arith.constant 128 : i32
      %mul3A_454 = arith.muli %scan3A_436, %mul3A_453 : i32
      %swap3A_455 = arith.constant 0 : index
      %swap3A_456 = arith.index_cast %mul3A_454 : i32 to index
      %swap3A_457 = arith.constant 0 : index
      %swap3A_458 = vector.load %arg14[%swap3A_455, %swap3A_456, %swap3A_457] : memref<1x16384x64xf32, #tpu.memory_space<vmem>>, vector<1x128x64xf32>
      %swap3A_459 = vector.shape_cast %swap3A_458 : vector<1x128x64xf32> to vector<128x64xf32>
      %swap3A_460 = vector.shape_cast %dot_general3A_452 : vector<128x64xf32> to vector<1x128x64xf32>
      tpu.vector_store %arg14[%swap3A_455, %swap3A_456, %swap3A_457], %swap3A_460 {strides = array<i32>} : memref<1x16384x64xf32, #tpu.memory_space<vmem>>, vector<1x128x64xf32>,
      %scan3A_461 = arith.constant 15 : i32
      %scan3A_462 = arith.addi %scan3A_72, %scan3A_461 : i32
      %mul3A_463 = arith.constant 32 : i32
      %mul3A_464 = arith.muli %scan3A_462, %mul3A_463 : i32
      %get3A_465 = arith.constant 0 : index
      %get3A_466 = arith.index_cast %mul3A_464 : i32 to index
      %get3A_467 = arith.constant 0 : index
      %get3A_468 = vector.load %arg4[%get3A_465, %get3A_466, %get3A_467] : memref<1x4096x128xf32, #tpu.memory_space<vmem>>, vector<1x32x128xf32>
      %get3A_469 = vector.shape_cast %get3A_468 : vector<1x32x128xf32> to vector<32x128xf32>
      %convert_element_type3A_470 = arith.truncf %get3A_469 : vector<32x128xf32> to vector<32x128xbf16>
      %mul3A_471 = arith.constant 32 : i32
      %mul3A_472 = arith.muli %scan3A_462, %mul3A_471 : i32
      %get3A_473 = arith.index_cast %mul3A_472 : i32 to index
      %get3A_474 = arith.constant 0 : index
      %get3A_475 = vector.load %arg15[%get3A_473, %get3A_474] : memref<4096x64xf32, #tpu.memory_space<vmem>>, vector<32x64xf32>
      %convert_element_type3A_476 = arith.truncf %get3A_475 : vector<32x64xf32> to vector<32x64xbf16>
      %dot_general3A_477 = arith.constant dense<0.000000e+00> : vector<128x64xf32>
      %dot_general3A_478 = tpu.matmul %convert_element_type3A_470, %convert_element_type3A_476, %dot_general3A_477 {dimension_numbers = #tpu.dot_dimension_numbers<[0], [0], [1], [1], [0, 1, 1, 1], [], []>, transpose_lhs_hint = false} : vector<32x128xbf16>, vector<32x64xbf16>, vector<128x64xf32> -> vector<128x64xf32>
      %mul3A_479 = arith.constant 128 : i32
      %mul3A_480 = arith.muli %scan3A_462, %mul3A_479 : i32
      %swap3A_481 = arith.constant 0 : index
      %swap3A_482 = arith.index_cast %mul3A_480 : i32 to index
      %swap3A_483 = arith.constant 0 : index
      %swap3A_484 = vector.load %arg14[%swap3A_481, %swap3A_482, %swap3A_483] : memref<1x16384x64xf32, #tpu.memory_space<vmem>>, vector<1x128x64xf32>
      %swap3A_485 = vector.shape_cast %swap3A_484 : vector<1x128x64xf32> to vector<128x64xf32>
      %swap3A_486 = vector.shape_cast %dot_general3A_478 : vector<128x64xf32> to vector<1x128x64xf32>
      tpu.vector_store %arg14[%swap3A_481, %swap3A_482, %swap3A_483], %swap3A_486 {strides = array<i32>} : memref<1x16384x64xf32, #tpu.memory_space<vmem>>, vector<1x128x64xf32>,
    }
    %scan3A_71 = arith.constant 128 : i32
    return
  }
  func.func @transform_0(%arg0: i32, %arg1: i32) -> (i32, i32, i32) {
    %c0_i32 = arith.constant 0 : i32
    %c0_i32_0 = arith.constant 0 : i32
    return %arg0, %arg1, %c0_i32 : i32, i32, i32
  }
  func.func @transform_1(%arg0: i32, %arg1: i32) -> (i32, i32, i32) {
    %c0_i32 = arith.constant 0 : i32
    %c0_i32_0 = arith.constant 0 : i32
    return %arg0, %arg1, %c0_i32 : i32, i32, i32
  }
  func.func @transform_2(%arg0: i32, %arg1: i32) -> (i32, i32, i32) {
    %c0_i32 = arith.constant 0 : i32
    %c0_i32_0 = arith.constant 0 : i32
    return %arg0, %arg1, %c0_i32 : i32, i32, i32
  }
  func.func @transform_3(%arg0: i32, %arg1: i32) -> (i32, i32) {
    %c0_i32 = arith.constant 0 : i32
    %c0_i32_0 = arith.constant 0 : i32
    %c0_i32_1 = arith.constant 0 : i32
    return %c0_i32, %c0_i32_0 : i32, i32
  }
  func.func @transform_4(%arg0: i32, %arg1: i32) -> (i32, i32) {
    %c0_i32 = arith.constant 0 : i32
    %c0_i32_0 = arith.constant 0 : i32
    %c0_i32_1 = arith.constant 0 : i32
    return %c0_i32, %c0_i32_0 : i32, i32
  }
  func.func @transform_5(%arg0: i32, %arg1: i32) -> (i32, i32) {
    %c0_i32 = arith.constant 0 : i32
    %c0_i32_0 = arith.constant 0 : i32
    %c0_i32_1 = arith.constant 0 : i32
    return %c0_i32, %c0_i32_0 : i32, i32
  }
  func.func @transform_6(%arg0: i32, %arg1: i32) -> (i32, i32) {
    %c0_i32 = arith.constant 0 : i32
    %c0_i32_0 = arith.constant 0 : i32
    %c0_i32_1 = arith.constant 0 : i32
    return %c0_i32, %c0_i32_0 : i32, i32
  }
  func.func @transform_7(%arg0: i32, %arg1: i32) -> (i32, i32) {
    %c0_i32 = arith.constant 0 : i32
    %c0_i32_0 = arith.constant 0 : i32
    %c0_i32_1 = arith.constant 0 : i32
    return %c0_i32, %c0_i32_0 : i32, i32
  }
  func.func @transform_8(%arg0: i32, %arg1: i32) -> (i32, i32) {
    %c0_i32 = arith.constant 0 : i32
    %c0_i32_0 = arith.constant 0 : i32
    %c0_i32_1 = arith.constant 0 : i32
    return %c0_i32, %c0_i32_0 : i32, i32
  }
  func.func @transform_9(%arg0: i32, %arg1: i32) -> (i32, i32) {
    %c0_i32 = arith.constant 0 : i32
    %c0_i32_0 = arith.constant 0 : i32
    %c0_i32_1 = arith.constant 0 : i32
    return %c0_i32, %c0_i32_0 : i32, i32
  }
  func.func @transform_10(%arg0: i32, %arg1: i32) -> (i32, i32) {
    %c0_i32 = arith.constant 0 : i32
    %c0_i32_0 = arith.constant 0 : i32
    %c0_i32_1 = arith.constant 0 : i32
    return %c0_i32, %c0_i32_0 : i32, i32
  }
  func.func @transform_11(%arg0: i32, %arg1: i32) -> (i32, i32) {
    %c0_i32 = arith.constant 0 : i32
    %c0_i32_0 = arith.constant 0 : i32
    %c0_i32_1 = arith.constant 0 : i32
    return %c0_i32, %c0_i32_0 : i32, i32
  }
  func.func @transform_12(%arg0: i32, %arg1: i32) -> (i32, i32, i32) {
    %c0_i32 = arith.constant 0 : i32
    %c0_i32_0 = arith.constant 0 : i32
    return %arg0, %arg1, %c0_i32 : i32, i32, i32
  }
}

module attributes {stable_mosaic.version = 14 : i64} {
  func.func @_final_body(%arg0: i32, %arg1: memref<1x256x8192xf32, #tpu.memory_space<vmem>>, %arg2: memref<8192x64xf32, #tpu.memory_space<vmem>>, %arg3: memref<1x64xf32, #tpu.memory_space<vmem>>, %arg4: memref<1x64xf32, #tpu.memory_space<vmem>>, %arg5: memref<1x256x64xf32, #tpu.memory_space<vmem>>) attributes {dimension_semantics = [#tpu.dimension_semantics<arbitrary>], iteration_bounds = array<i64: 16>, scalar_prefetch = 0 : i64, scratch_operands = 0 : i64, tpu.core_type = #tpu.core_type<tc>, window_params = [{transform_indices = @transform_0, window_bounds = array<i64: 1, 256, 8192>}, {pipeline_mode = #tpu.pipeline_mode<synchronous>, transform_indices = @transform_1, window_bounds = array<i64: 8192, 64>}, {pipeline_mode = #tpu.pipeline_mode<synchronous>, transform_indices = @transform_2, window_bounds = array<i64: 1, 64>}, {pipeline_mode = #tpu.pipeline_mode<synchronous>, transform_indices = @transform_3, window_bounds = array<i64: 1, 64>}, {transform_indices = @transform_4, window_bounds = array<i64: 1, 256, 64>}]} {
    %get3A = arith.constant 0 : index
    %get3A_0 = arith.constant 0 : index
    %get3A_1 = arith.constant 0 : index
    %get3A_2 = vector.load %arg1[%get3A, %get3A_0, %get3A_1] : memref<1x256x8192xf32, #tpu.memory_space<vmem>>, vector<1x256x8192xf32>
    %get3A_3 = vector.shape_cast %get3A_2 : vector<1x256x8192xf32> to vector<256x8192xf32>
    %convert_element_type3A = arith.truncf %get3A_3 : vector<256x8192xf32> to vector<256x8192xbf16>
    %get3A_4 = arith.constant 0 : index
    %get3A_5 = arith.constant 0 : index
    %get3A_6 = vector.load %arg2[%get3A_4, %get3A_5] : memref<8192x64xf32, #tpu.memory_space<vmem>>, vector<8192x64xf32>
    %convert_element_type3A_7 = arith.truncf %get3A_6 : vector<8192x64xf32> to vector<8192x64xbf16>
    %dot_general3A = arith.constant dense<0.000000e+00> : vector<256x64xf32>
    %dot_general3A_8 = tpu.matmul %convert_element_type3A, %convert_element_type3A_7, %dot_general3A {dimension_numbers = #tpu.dot_dimension_numbers<[1], [0], [0], [1], [0, 0, 1, 1], [], []>, transpose_lhs_hint = false} : vector<256x8192xbf16>, vector<8192x64xbf16>, vector<256x64xf32> -> vector<256x64xf32>
    %get3A_9 = arith.constant 0 : index
    %get3A_10 = arith.constant 0 : index
    %get3A_11 = vector.load %arg3[%get3A_9, %get3A_10] : memref<1x64xf32, #tpu.memory_space<vmem>>, vector<1x64xf32>
    %mul3A = vector.broadcast %get3A_11 : vector<1x64xf32> to vector<256x64xf32>
    %mul3A_12 = arith.mulf %dot_general3A_8, %mul3A : vector<256x64xf32>
    %get3A_13 = arith.constant 0 : index
    %get3A_14 = arith.constant 0 : index
    %get3A_15 = vector.load %arg4[%get3A_13, %get3A_14] : memref<1x64xf32, #tpu.memory_space<vmem>>, vector<1x64xf32>
    %add3A = vector.broadcast %get3A_15 : vector<1x64xf32> to vector<256x64xf32>
    %add3A_16 = arith.addf %mul3A_12, %add3A : vector<256x64xf32>
    %max3A = arith.constant 0.000000e+00 : f32
    %max3A_17 = vector.broadcast %max3A : f32 to vector<256x64xf32>
    %max3A_18 = arith.maximumf %add3A_16, %max3A_17 : vector<256x64xf32>
    %swap3A = arith.constant 0 : index
    %swap3A_19 = arith.constant 0 : index
    %swap3A_20 = arith.constant 0 : index
    %swap3A_21 = vector.load %arg5[%swap3A, %swap3A_19, %swap3A_20] : memref<1x256x64xf32, #tpu.memory_space<vmem>>, vector<1x256x64xf32>
    %swap3A_22 = vector.shape_cast %swap3A_21 : vector<1x256x64xf32> to vector<256x64xf32>
    %swap3A_23 = vector.shape_cast %max3A_18 : vector<256x64xf32> to vector<1x256x64xf32>
    tpu.vector_store %arg5[%swap3A, %swap3A_19, %swap3A_20], %swap3A_23 {strides = array<i32>} : memref<1x256x64xf32, #tpu.memory_space<vmem>>, vector<1x256x64xf32>,
    return
  }
  func.func @transform_0(%arg0: i32) -> (i32, i32, i32) {
    %c0_i32 = arith.constant 0 : i32
    %c0_i32_0 = arith.constant 0 : i32
    %c0_i32_1 = arith.constant 0 : i32
    return %arg0, %c0_i32, %c0_i32_0 : i32, i32, i32
  }
  func.func @transform_1(%arg0: i32) -> (i32, i32) {
    %c0_i32 = arith.constant 0 : i32
    %c0_i32_0 = arith.constant 0 : i32
    %c0_i32_1 = arith.constant 0 : i32
    return %c0_i32, %c0_i32_0 : i32, i32
  }
  func.func @transform_2(%arg0: i32) -> (i32, i32) {
    %c0_i32 = arith.constant 0 : i32
    %c0_i32_0 = arith.constant 0 : i32
    %c0_i32_1 = arith.constant 0 : i32
    return %c0_i32, %c0_i32_0 : i32, i32
  }
  func.func @transform_3(%arg0: i32) -> (i32, i32) {
    %c0_i32 = arith.constant 0 : i32
    %c0_i32_0 = arith.constant 0 : i32
    %c0_i32_1 = arith.constant 0 : i32
    return %c0_i32, %c0_i32_0 : i32, i32
  }
  func.func @transform_4(%arg0: i32) -> (i32, i32, i32) {
    %c0_i32 = arith.constant 0 : i32
    %c0_i32_0 = arith.constant 0 : i32
    %c0_i32_1 = arith.constant 0 : i32
    return %arg0, %c0_i32, %c0_i32_0 : i32, i32, i32
  }
}

</mosaic_0001>

<sc_bundles>
// kernel: kernel.7.cloned.1.call-start
scs
__scs_entry_jumppad:
0x0: {  	(pc) =	sbr.rel $0x88, $3  }
0x1: {  	(tag) =	ssettag $0x0;
	lr =	simm.s32 $0x1  }
0x2: {  	[smem:$0x3F93] =	sst lr;
	_ =	strace $0xD0000000  }
0x3: {  	_ = 	snop  }
0x4: {  	_ = 	snop  }
0x5: {  	_ = 	snop  }
0x6: {  	_ = 	snop  }
0x7: {  	_ = 	snop  }
__scs_overlays_trampoline_lowered:
0x8: {  	[smem:$0x3FA2] =	sst s0  }
0x9: {  	[smem:$0x3FA3] =	sst s1  }
0xa: {  	[smem:$0x3FA4] =	sst s2  }
0xb: {  	[smem:$0x3FA5] =	sst s3  }
0xc: {  	[smem:$0x3FA6] =	sst s4  }
0xd: {  	[smem:$0x3FA7] =	sst s5  }
0xe: {  	[smem:$0x3FA8] =	sst s6  }
0xf: {  	[smem:$0x3FA9] =	sst s7  }
0x10: {  	[smem:$0x3FAA] =	sst s8  }
0x11: {  	[smem:$0x3FAB] =	sst s9;
	s0 =	simm.s32 @!p0 $0x0  }
0x12: {  	s1 =	sld [smem:$0x3F91];
	s0 =	simm.s32 @p0 $0x1  }
0x13: {  	[smem:$0x3FAC] =	sst s0;
	s0 =	simm.s32 @!p1 $0x0  }
0x14: {  	s2 =	sld [smem:$0x3F90];
	s0 =	simm.s32 @p1 $0x1  }
0x15: {  	[smem:$0x3FAD] =	sst s0;
	s0 =	simm.s32 @!p2 $0x0  }
0x16: {  	s3 =	sld [smem:$0x3FDB];
	s0 =	simm.s32 @p2 $0x1  }
0x17: {  	s4 =	simm.s32 $0x1BF5;
	[smem:$0x3FAF] =	sst s0  }
0x18: {  	s0 =	sld [smem:$0x3F92];
	_ =	swait.ge [sflag:s4], $0x0  }
0x19: {  	s7 =	sld [smem:$0x3F93]  }
0x1a: {  	s8 =	sadd.s32 $0xFFFFE003, lr  }
0x1b: {  	s9 =	sadd.s32 $0xFFFFFEF7, lr;
	s5 =	simm.s32 $0xFFFFFFFF;
	p2 =	slt.u32 s8, $0xFFFFF086  }
0x1c: {  	p1 =	slt.u32 s9, $0xF7A;
	s5 =	simm.s32 @!p2 $0x0  }
0x1d: {  	s5 =	simm.s32 @p1 $0x1;
	p0 =	seq.s32 s7, s2  }
0x1e: {  	s7 =	smul.u32 @!p0 $0xF7A, s2;
	p2 =	seq.s32 @!p0 s5, $0x0  }
0x1f: {  	s9 =	smul.u32 $0xF7A, s1;
	s8 =	simm.s32 @!p0 $0x1BF5;
	p2 =	por !p2, p0  }
0x20: {  	[sflag:s8] =	ssyncset.s32 @!p0 $0xFFFFF086;
	s6 =	sadd.s32 @!p0 s3, s7;
	s7 =	simm.s32 @!p0 $0x108  }
0x21: {  	s3 =	sadd.s32 s3, s9;
	s6 =	sadd.s32 @!p0 $0x88, s6;
	s7 =	simm.s32 @p2 $0x1082  }
0x22: {  	[simem:s7], [sflag:s8] =	dma.local @!p0 [hbm:s6], $0xF7A  }
0x23: {  	s9 =	sor.u32 $0xD0000000, s2;
	s6 =	simm.s32 $0x108;
	_ =	swait.ge @!p0 [sflag:s8], $0x0  }
0x24: {  	s3 =	sadd.s32 $0x88, s3;
	s6 =	simm.s32 @!p1 $0x1082;
	[sflag:s4] =	ssyncset.s32 $0xFFFFF086  }
0x25: {  	[simem:s6], [sflag:s4] =	dma.local [hbm:s3], $0xF7A  }
0x26: {  	[smem:$0x3F93] =	sst s1;
	(tag) =	ssettag s2;
	_ =	strace s9  }
0x27: {  	s1 =	sld [smem:$0x3FA3]  }
0x28: {  	s2 =	sld [smem:$0x3FA4]  }
0x29: {  	s4 =	sld [smem:$0x3FA6]  }
0x2a: {  	p0 =	seq.s32 s5, $0x0;
	s5 =	sld [smem:$0x3FA7]  }
0x2b: {  	s6 =	sld [smem:$0x3FA8]  }
0x2c: {  	s7 =	sld [smem:$0x3FA9]  }
0x2d: {  	s3 =	simm.s32 $0x108;
	s8 =	sld [smem:$0x3FAA]  }
0x2e: {  	s3 =	simm.s32 @!p0 $0x1082;
	s9 =	sld [smem:$0x3FAB]  }
0x2f: {  	lr =	sadd.s32 s0, s3;
	s0 =	sld [smem:$0x3FA2]  }
0x30: {  	s3 =	sld [smem:$0x3FA5]  }
0x31: {  	[smem:$0x3FAE] =	sst s10  }
0x32: {  	s10 =	sld [smem:$0x3FAC];
	_ =	sdelay $0x3  }
0x33: {  	p0 =	seq.s32 s10, $0x1;
	s10 =	sld [smem:$0x3FAE];
	_ =	sdelay $0x3  }
0x34: {  	[smem:$0x3FAE] =	sst s10  }
0x35: {  	s10 =	sld [smem:$0x3FAD];
	_ =	sdelay $0x3  }
0x36: {  	p1 =	seq.s32 s10, $0x1;
	s10 =	sld [smem:$0x3FAE];
	_ =	sdelay $0x3  }
0x37: {  	[smem:$0x3FAE] =	sst s10  }
0x38: {  	s10 =	sld [smem:$0x3FAF]  }
0x39: {  	_ = 	snop;
	(pc) =	sbr.ind lr, $3  }
0x3a: {  	_ = 	snop  }
0x3b: {  	_ = 	snop  }
0x3c: {  	p2 =	seq.s32 s10, $0x1;
	s10 =	sld [smem:$0x3FAE]  }
0x3d: {  	_ =	shalt  }
0x3e: {  	_ =	shalt  }
0x3f: {  	_ =	shalt  }
0x40: {  	_ =	shalt  }
0x41: {  	_ =	shalt  }
0x42: {  	_ =	shalt  }
0x43: {  	_ =	shalt  }
0x44: {  	_ =	shalt  }
0x45: {  	_ =	shalt  }
0x46: {  	_ =	shalt  }
0x47: {  	_ =	shalt  }
0x48: {  	_ =	shalt  }
0x49: {  	_ =	shalt  }
0x4a: {  	_ =	shalt  }
0x4b: {  	_ =	shalt  }
0x4c: {  	_ =	shalt  }
0x4d: {  	_ =	shalt  }
0x4e: {  	_ =	shalt  }
0x4f: {  	_ =	shalt  }
0x50: {  	_ =	shalt  }
0x51: {  	_ =	shalt  }
0x52: {  	_ =	shalt  }
0x53: {  	_ =	shalt  }
0x54: {  	_ =	shalt  }
0x55: {  	_ =	shalt  }
0x56: {  	_ =	shalt  }
0x57: {  	_ =	shalt  }
0x58: {  	_ =	shalt  }
0x59: {  	_ =	shalt  }
0x5a: {  	_ =	shalt  }
0x5b: {  	_ =	shalt  }
0x5c: {  	_ =	shalt  }
0x5d: {  	_ =	shalt  }
0x5e: {  	_ =	shalt  }
0x5f: {  	_ =	shalt  }
0x60: {  	_ =	shalt  }
0x61: {  	_ =	shalt  }
0x62: {  	_ =	shalt  }
0x63: {  	_ =	shalt  }
0x64: {  	_ =	shalt  }
0x65: {  	_ =	shalt  }
0x66: {  	_ =	shalt  }
0x67: {  	_ =	shalt  }
0x68: {  	_ =	shalt  }
0x69: {  	_ =	shalt  }
0x6a: {  	_ =	shalt  }
0x6b: {  	_ =	shalt  }
0x6c: {  	_ =	shalt  }
0x6d: {  	_ =	shalt  }
0x6e: {  	_ =	shalt  }
0x6f: {  	_ =	shalt  }
0x70: {  	_ =	shalt  }
0x71: {  	_ =	shalt  }
0x72: {  	_ =	shalt  }
0x73: {  	_ =	shalt  }
0x74: {  	_ =	shalt  }
0x75: {  	_ =	shalt  }
0x76: {  	_ =	shalt  }
0x77: {  	_ =	shalt  }
0x78: {  	_ =	shalt  }
0x79: {  	_ =	shalt  }
0x7a: {  	_ =	shalt  }
0x7b: {  	_ =	shalt  }
0x7c: {  	_ =	shalt  }
0x7d: {  	_ =	shalt  }
0x7e: {  	_ =	shalt  }
0x7f: {  	_ =	shalt  }
0x80: {  	_ =	shalt  }
0x81: {  	_ =	shalt  }
0x82: {  	_ =	shalt  }
0x83: {  	_ =	shalt  }
0x84: {  	_ =	shalt  }
0x85: {  	_ =	shalt  }
0x86: {  	_ =	shalt  }
0x87: {  	_ =	shalt  }
.Lfunc_end0:
.L_simem_size_0:
called_computation.1_lowered:
.L_overlay_start_0:
0x88: {  	s2 =	sld [smem:$0x3FD9]  }
0x89: {  	s3 =	sld [smem:$0x3FFE];
	_ =	sdelay $0x1  }
0x8a: {  	s1 =	srdreg.scid  }
0x8b: {  	s0 =	sand.u32 $0x1, s1  }
0x8c: {  	s14 =	sshll.u32 s0, $0xA;
	s2 =	sadd.s32 s3, s2  }
0x8d: {  	s2 =	sadd.s32 s2, s14  }
0x8e: {  	[smem:$0x3FBA] =	sst s2  }
0x8f: {  	_ = 	snop  }
0x90: {  	s2 =	sld [smem:$0x3FD0];
	_ =	sdelay $0x2  }
0x91: {  	s15 =	simm.s32 $0xA;
	s4 =	simm.s32 $0x10  }
0x92: {  	[smem:s4], [sflag:s15] =	dma.local [hbm:s2], $0x1  }
0x93: {  	_ =	swait.eq [sflag:s15], $0x1  }
0x94: {  	[sflag:s15] =	ssyncset.done $0x0  }
0x95: {  	[sflag:s15] =	ssyncadd.s32 $0xFFFFFFFF  }
0x96: {  	s16 =	sld [smem:$0x11];
	(tm) =	ssettm $0x1  }
0x97: {  	s17 =	sld [smem:$0x3FFB];
	_ =	sdelay $0x3  }
0x98: {  	_ =	strace s17  }
0x99: {  	s3 =	sld [smem:$0x3FFC];
	_ =	sdelay $0x3  }
0x9a: {  	_ =	strace s3  }
0x9b: {  	s3 =	sld [smem:$0x3FFD];
	_ =	sdelay $0x3  }
0x9c: {  	_ =	strace s3  }
0x9d: {  	_ =	strace $0x8FFFFFFF  }
0x9e: {  	s18 =	sld [smem:$0x3FDB];
	_ =	sdelay $0x1  }
0x9f: {  	s19 =	simm.s32 $_scs_section_size  }
0xa0: {  	s5 =	simm.s32 $_size__tile_overlayer_lowered;
	s6 =	simm.s32 $_tile_overlayer_lowered  }
0xa1: {  	s22 =	simm.s32 $0x1BFF;
	s21 =	sshll.u32 s6, $0x1;
	s3 =	sadd.s32 s19, s18  }
0xa2: {  	s7 =	simm.s32 $0x0;
	s20 =	sshll.u32 s5, $0x1;
	s5 =	sadd.s32 s21, s3  }
0xa3: {  	[timem:s7], [sflag:s22] =	dma.local [hbm:s5], s20  }
0xa4: {  	_ =	swait.ge [sflag:s22], s20  }
0xa5: {  	s4 =	ssub.s32 $0x0, s20;
	[sflag:s22] =	ssyncset.done $0x0  }
0xa6: {  	[sflag:s22] =	ssyncadd.s32 s4;
	_ =	sdelay $0x1  }
0xa7: {  	s23 =	simm.s32 $0x1B8B  }
0xa8: {  	_ =	swait.ge [sflag:s23], $0x1  }
0xa9: {  	[sflag:s23] =	ssyncset.done $0x0  }
0xaa: {  	s25 =	simm.s32 $0x1B8E;
	s24 =	sld [smem:$0x3FFE];
	[sflag:s23] =	ssyncadd.s32 $0xFFFFFFFF  }
0xab: {  	s26 =	simm.s32 $execute0_lowered;
	[smem:$0x3FD2] =	sst s25  }
0xac: {  	s5 =	sshll.u32 s26, $0x1;
	_ =	strace $0x80000049;
	[dreg:$0x1] =	wrdreg $0xFFFFFFFF  }
0xad: {  	s28 =	simm.s32 $_size_execute0_lowered;
	s3 =	sadd.s32 s3, s5;
	[dreg:$0x0] =	wrdreg $0x0  }
0xae: {  	s5 =	sshll.u32 s28, $0x1;
	[dreg:$0x2] =	wrdreg s3  }
0xaf: {  	[dreg:$0x3] =	wrdreg s5  }
0xb0: {  	[dreg:$0x4] =	wrdreg $0xC0  }
0xb1: {  	_ =	task [dreg:s7], $0x5FFFF  }
0xb2: {  	[dreg:$0x1] =	wrdreg $0xFFFFFFFF  }
0xb3: {  	[dreg:$0x0] =	wrdreg $0x60  }
0xb4: {  	[dreg:$0x2] =	wrdreg s24  }
0xb5: {  	[dreg:$0x3] =	wrdreg s16  }
0xb6: {  	[dreg:$0x4] =	wrdreg $0x9  }
0xb7: {  	_ =	task.clear_ibuf [dreg:s7], $0x5FFFF;
	_ =	strace $0x90000049  }
0xb8: {  	s29 =	simm.s32 $0x9;
	_ =	strace $0x8000004B  }
0xb9: {  	_ =	swait.ge [sflag:s29], $0x1  }
0xba: {  	[sflag:s29] =	ssyncadd.s32 $0xFFFFFFFF  }
0xbb: {  	_ =	strace $0x9000004B  }
0xbc: {  	_ =	sfence  }
0xbd: {  	s30 =	sld [smem:$0x0];
	_ =	sdelay $0x2  }
0xbe: {  	s31 =	sshll.u32 s1, $0xD;
	s1 =	sshrl.u32 s1, $0x2  }
0xbf: {  	s3 =	sand.u32 $0x4000, s31;
	s1 =	sadd.s32 s1, s30  }
0xc0: {  	s0 =	sor.u32 s3, s0;
	s1 =	sshll.u32 s1, $0x11  }
0xc1: {  	s0 =	sor.u32 s1, s0  }
0xc2: {  	s0 =	sadd.s32 $0x8F2B, s0  }
0xc3: {  	[sflag:s0] =	ssyncadd.remote.s32 $0x1  }
0xc4: {  	_ =	sfence.sel $0xFFFF  }
0xc5: {  	[dreg:$0x0] =	wrdreg $0xFFFFFFFF;
	(pc) =	sbr.abs _section_cstart, $3  }
0xc6: {  	[dreg:$0x1] =	wrdreg $0xFFFFFFFF  }
0xc7: {  	_ =	task.clear_ibuf [dreg:s7], $0x2FFFF;
	_ =	strace $0x9FFFFFFF  }
0xc8: {  	(tm) =	ssettm $0x7FFFFFFF  }
0xc9: {  	_ =	shalt  }
tec
execute0_lowered:
.L_overlay_start_1:
0x0: {  	(tag) =	ssettag $0x1  }
0x1: {  	s5 =	rddreg [dreg:$0x0]  }
0x2: {  	s6 =	rddreg [dreg:$0x1]  }
0x3: {  	s0 =	rddreg [dreg:$0x2]  }
0x4: {  	s2 =	simm.s32 $0x0;
	s1 =	stileid.u32;
	s7 =	srdreg.scid  }
0x5: {  	s12 =	simm.s32 $0x5000;
	s13 =	simm.s32 $0x1;
	s14 =	simm.s32 $0x2  }
0x6: {  	s15 =	simm.s32 $0x0;
	[smem:$0x7FF] =	sst s2;
	s3 =	sadd.s32 $0x2E00, s5  }
0x7: {  	s4 =	sadd.s32 $0x202E00, s5;
	s8 =	sshll.u32 s1, $0x11;
	s7 =	sand.u32 $0x1, s7  }
0x8: {  	s10 =	sshll.u32 s1, $0xD;
	_ =	strace $0x8000004A;
	s9 =	ssub.s32 $0x2, s7  }
0x9: {  	s11 =	sshll.u32 s7, $0xC;
	s8 =	sadd.s32 s8, s5;
	s7 =	sshll.u32 s7, $0x10  }
0xa: {  	s30 =	sshrl.u32 s9, $0x1;
	s10 =	sor.u32 s11, s10;
	s8 =	sadd.s32 s7, s8  }
0xb: {  	s11 =	simm.s32 $0x1000;
	s9 =	ssub.s32 s9, s30;
	s31 =	sshrl.u32 s10, $0x3  }
0xc: {  	s7 =	sadd.s32 $0x302E00, s8;
	s8 =	sadd.s32 $0x502E00, s8;
	s10 =	simm.s32 $0x80  }
0xd: {  	s5 =	sadd.s32 s6, s31;
	s6 =	smax.u32 s9, $0x1;
	s9 =	simm.s32 $0x3  }
.LBB2_1:
0xe: {  	[tilespmem:s2], [sflag:$0x3] =	stream.linear.gather [hbm4b:s5+s2], $0x1000, $0x38;
	[tilespmem:$0x9000] =	vst v63  }
0xf: {  	_ =	swait.ge [sflag:s9], $0x1000  }
0x10: {  	[sflag:s9] =	ssyncset.done $0x0  }
0x11: {  	[sflag:s9] =	ssyncadd.s32 $0xFFFFF000  }
0x12: {  	[tilespmem:s11], [sflag:$0x1] =	stream.indirect.gather [hbm4b:s3+s10], $0x80, s2, s10, $0xb8;
	[tilespmem:$0x9000] =	vst v63  }
0x13: {  	_ = 	snop  }
0x14: {  	[tilespmem:s12], [sflag:$0x2] =	stream.indirect.gather [hbm4b:s4+s10], $0x80, s2, s10, $0xb8;
	[tilespmem:$0x9000] =	vst v63  }
0x15: {  	_ =	swait.ge [sflag:s13], $0x4000  }
0x16: {  	[sflag:s13] =	ssyncset.done $0x0  }
0x17: {  	[sflag:s13] =	ssyncadd.s32 $0xFFFFC000  }
0x18: {  	_ =	swait.ge [sflag:s14], $0x4000  }
0x19: {  	[sflag:s14] =	ssyncset.done $0x0  }
0x1a: {  	s16 =	sadd.s32 $0x0, s7;
	[sflag:s14] =	ssyncadd.s32 $0xFFFFC000  }
0x1b: {  	[hbm4b:s16+s2] =	stream.linear.scatter [tilespmem:s11], [sflag:$0x3], $0x4000, $0x38;
	[tilespmem:$0x9000] =	vst v63  }
0x1c: {  	_ =	swait.ge [sflag:s9], $0x4000  }
0x1d: {  	[sflag:s9] =	ssyncset.done $0x0  }
0x1e: {  	s31 =	sadd.s32 $0x0, s8;
	[sflag:s9] =	ssyncadd.s32 $0xFFFFC000  }
0x1f: {  	[hbm4b:s31+s2] =	stream.linear.scatter [tilespmem:s12], [sflag:$0x3], $0x4000, $0x38;
	[tilespmem:$0x9000] =	vst v63  }
0x20: {  	_ =	swait.ge [sflag:s9], $0x4000  }
0x21: {  	s17 =	simm.s32 $0x0;
	s16 =	simm.s32 $0x800;
	[sflag:s9] =	ssyncset.done $0x0  }
.LBB2_2:
0x22: {  	p0 =	sne.s32 s16, $0xF800;
	[sflag:s9] =	ssyncadd.s32 $0xFFFFC000;
	s17 =	sadd.s32 $0x80, s17  }
0x23: {  	[tilespmem:s11], [sflag:$0x1] =	stream.indirect.gather [hbm4b:s3+s10], $0x80, s17, s10, $0xb8;
	[tilespmem:$0x9000] =	vst v63  }
0x24: {  	s18 =	smov.u32 s16;
	s16 =	sadd.s32 $0x800, s16  }
0x25: {  	[tilespmem:s12], [sflag:$0x2] =	stream.indirect.gather [hbm4b:s4+s10], $0x80, s17, s10, $0xb8;
	[tilespmem:$0x9000] =	vst v63  }
0x26: {  	_ =	swait.ge [sflag:s13], $0x4000  }
0x27: {  	[sflag:s13] =	ssyncset.done $0x0  }
0x28: {  	[sflag:s13] =	ssyncadd.s32 $0xFFFFC000  }
0x29: {  	_ =	swait.ge [sflag:s14], $0x4000  }
0x2a: {  	[sflag:s14] =	ssyncset.done $0x0  }
0x2b: {  	s19 =	sadd.s32 s18, s7;
	[sflag:s14] =	ssyncadd.s32 $0xFFFFC000  }
0x2c: {  	[hbm4b:s19+s2] =	stream.linear.scatter [tilespmem:s11], [sflag:$0x3], $0x4000, $0x38;
	[tilespmem:$0x9000] =	vst v63  }
0x2d: {  	_ =	swait.ge [sflag:s9], $0x4000  }
.Ltmp0:
0x2e: {  	[sflag:s9] =	ssyncset.done $0x0;
	(pc) =	sbr.rel @p0 .LBB2_2-.Ltmp0, $4  }
0x2f: {  	s18 =	sadd.s32 s18, s8;
	[sflag:s9] =	ssyncadd.s32 $0xFFFFC000  }
0x30: {  	[hbm4b:s18+s2] =	stream.linear.scatter [tilespmem:s12], [sflag:$0x3], $0x4000, $0x38;
	[tilespmem:$0x9000] =	vst v63  }
0x31: {  	_ =	swait.ge [sflag:s9], $0x4000  }
0x32: {  	[sflag:s9] =	ssyncset.done $0x0  }
0x33: {  	s15 =	sadd.s32 $0x1, s15  }
0x34: {  	p0 =	sne.s32 s15, s6  }
.Ltmp1:
0x35: {  	_ = 	snop;
	(pc) =	sbr.rel @p0 .LBB2_1-.Ltmp1, $2  }
0x36: {  	_ =	sdelay $0x2  }
0x37: {  	[sflag:s9] =	ssyncadd.s32 $0xFFFFC000  }
0x38: {  	_ =	sfence.sel $0x180000  }
0x39: {  	[bflag:$0x0] =	sbarrier.arrive $0xFFFF  }
0x3a: {  	p0 =	sne.s32 s1, $0x0;
	_ =	strace $0x9000004A  }
0x3b: {  	s0 =	sadd.s32 @!p0 $0x100000, s0;
	[bflag:$0x2] =	sbarrier.arrive $0xFFFF  }
0x3c: {  	[sflag:s0] =	ssyncadd.tile.s32 @!p0 $0x1;
	_ =	shalt  }
.Lfunc_end2:
_tile_overlayer_lowered:
.L_overlay_start_2:
0x3d: {  	(tag) =	ssettag $0x2  }
0x3e: {  	s0 =	rddreg [dreg:$0x0];
	s2 =	stileid.u32  }
0x3f: {  	s1 =	rddreg [dreg:$0x1];
	p0 =	sne.s32 s2, $0x0  }
0x40: {  	s3 =	rddreg [dreg:$0x2];
	[bflag:$0x3] =	sbarrier.arrive $0xFFFF;
	s2 =	simm.s32 @!p0 $0x1C03  }
0x41: {  	[timem:s3], [sflag:s2] =	dma.local @!p0 [hbm:s0], s1  }
0x42: {  	s0 =	simm.s32 @!p0 $0x3  }
0x43: {  	_ =	swait.ge @!p0 [sflag:s0], s1  }
0x44: {  	s1 =	ssub.s32 @!p0 $0x0, s1;
	[sflag:s0] =	ssyncset.done @!p0 $0x0  }
0x45: {  	[sflag:s0] =	ssyncadd.s32 @!p0 s1  }
0x46: {  	[bflag:$0x3] =	sbarrier.arrive $0xFFFF  }
0x47: {  	_ =	shalt  }

// kernel: sparse-core-data-format-call.cloned.1.call-start
scs
called_computation_lowered:
.L_overlay_start_0:
0x0: {  	s2 =	sld [smem:$0x3FD9]  }
0x1: {  	s3 =	sld [smem:$0x3FFE];
	_ =	sdelay $0x1  }
0x2: {  	s1 =	srdreg.scid  }
0x3: {  	s0 =	sand.u32 $0x1, s1  }
0x4: {  	s18 =	sshll.u32 s0, $0xA;
	s2 =	sadd.s32 s3, s2  }
0x5: {  	s2 =	sadd.s32 s2, s18  }
0x6: {  	[smem:$0x3FBA] =	sst s2  }
0x7: {  	_ = 	snop  }
0x8: {  	s2 =	sld [smem:$0x3FC8];
	(tm) =	ssettm $0x1  }
0x9: {  	s19 =	sld [smem:$0x3FFB];
	_ =	sdelay $0x3  }
0xa: {  	_ =	strace s19  }
0xb: {  	s3 =	sld [smem:$0x3FFC];
	_ =	sdelay $0x3  }
0xc: {  	_ =	strace s3  }
0xd: {  	s3 =	sld [smem:$0x3FFD];
	_ =	sdelay $0x3  }
0xe: {  	_ =	strace s3  }
0xf: {  	_ =	strace $0x8FFFFFFF  }
0x10: {  	s20 =	sld [smem:$0x3FDB];
	_ =	sdelay $0x1  }
0x11: {  	s4 =	simm.s32 $_scs_section_size  }
0x12: {  	s5 =	simm.s32 $_size__tile_overlayer_lowered;
	s6 =	simm.s32 $_tile_overlayer_lowered  }
0x13: {  	s23 =	simm.s32 $0x1BFF;
	s22 =	sshll.u32 s6, $0x1;
	s3 =	sadd.s32 s4, s20  }
0x14: {  	s7 =	simm.s32 $0x0;
	s21 =	sshll.u32 s5, $0x1;
	s5 =	sadd.s32 s22, s3  }
0x15: {  	[timem:s7], [sflag:s23] =	dma.local [hbm:s5], s21  }
0x16: {  	_ =	swait.ge [sflag:s23], s21  }
0x17: {  	s4 =	ssub.s32 $0x0, s21;
	[sflag:s23] =	ssyncset.done $0x0  }
0x18: {  	[sflag:s23] =	ssyncadd.s32 s4;
	_ =	sdelay $0x1  }
0x19: {  	s24 =	simm.s32 $0x1B8B  }
0x1a: {  	_ =	swait.ge [sflag:s24], $0x1  }
0x1b: {  	[sflag:s24] =	ssyncset.done $0x0  }
0x1c: {  	s26 =	simm.s32 $0x1B8E;
	s25 =	sld [smem:$0x3FFE];
	[sflag:s24] =	ssyncadd.s32 $0xFFFFFFFF  }
0x1d: {  	s27 =	simm.s32 $execute0_lowered;
	[smem:$0x3FD2] =	sst s26  }
0x1e: {  	s5 =	sshll.u32 s27, $0x1;
	_ =	strace $0x80000046;
	[dreg:$0x1] =	wrdreg $0xFFFFFFFF  }
0x1f: {  	s28 =	simm.s32 $_size_execute0_lowered;
	s3 =	sadd.s32 s3, s5;
	[dreg:$0x0] =	wrdreg $0x0  }
0x20: {  	s5 =	sshll.u32 s28, $0x1;
	[dreg:$0x2] =	wrdreg s3  }
0x21: {  	[dreg:$0x3] =	wrdreg s5  }
0x22: {  	[dreg:$0x4] =	wrdreg $0xC0  }
0x23: {  	_ =	task [dreg:s7], $0x5FFFF  }
0x24: {  	[dreg:$0x1] =	wrdreg $0xFFFFFFFF  }
0x25: {  	[dreg:$0x0] =	wrdreg $0x60  }
0x26: {  	[dreg:$0x2] =	wrdreg s2  }
0x27: {  	[dreg:$0x3] =	wrdreg s25  }
0x28: {  	[dreg:$0x4] =	wrdreg $0x9  }
0x29: {  	_ =	task.clear_ibuf [dreg:s7], $0x5FFFF;
	_ =	strace $0x90000046  }
0x2a: {  	s29 =	simm.s32 $0x9;
	_ =	strace $0x80000048  }
0x2b: {  	_ =	swait.ge [sflag:s29], $0x1  }
0x2c: {  	[sflag:s29] =	ssyncadd.s32 $0xFFFFFFFF  }
0x2d: {  	_ =	strace $0x90000048  }
0x2e: {  	_ =	sfence  }
0x2f: {  	s30 =	sld [smem:$0x0];
	_ =	sdelay $0x2  }
0x30: {  	s31 =	sshll.u32 s1, $0xD;
	s1 =	sshrl.u32 s1, $0x2  }
0x31: {  	s3 =	sand.u32 $0x4000, s31;
	s1 =	sadd.s32 s1, s30  }
0x32: {  	s0 =	sor.u32 s3, s0;
	s1 =	sshll.u32 s1, $0x11  }
0x33: {  	s0 =	sor.u32 s1, s0  }
0x34: {  	s0 =	sadd.s32 $0x8F2B, s0  }
0x35: {  	[sflag:s0] =	ssyncadd.remote.s32 $0x1  }
0x36: {  	_ =	sfence.sel $0xFFFF  }
0x37: {  	[dreg:$0x0] =	wrdreg $0xFFFFFFFF;
	(pc) =	sbr.abs _section_cstart, $3  }
0x38: {  	[dreg:$0x1] =	wrdreg $0xFFFFFFFF  }
0x39: {  	_ =	task.clear_ibuf [dreg:s7], $0x2FFFF;
	_ =	strace $0x9FFFFFFF  }
0x3a: {  	(tm) =	ssettm $0x7FFFFFFF  }
0x3b: {  	_ =	shalt  }
tec
execute0_lowered:
.L_overlay_start_1:
0x0: {  	(tag) =	ssettag $0x1  }
0x1: {  	s1 =	rddreg [dreg:$0x0]  }
0x2: {  	s0 =	srdreg.scid;
	s2 =	rddreg [dreg:$0x1];
	s5 =	simm.s32 $0x1  }
0x3: {  	s8 =	simm.s32 $0x2;
	s14 =	simm.s32 $0x0;
	p0 =	por $0x0, $0x0  }
0x4: {  	s12 =	simm.s32 $0x0;
	s13 =	simm.s32 $0x0;
	s3 =	sshll.u32 s0, $0x7  }
0x5: {  	s9 =	simm.s32 $0x0;
	s10 =	stileid.u32;
	s3 =	sand.u32 $0x80, s3  }
.Ltmp0:
0x6: {  	s11 =	simm.s32 $0x0;
	s6 =	ssub.s32 $0x1000, s3;
	(pc) =	sbr.rel .LBB1_1-.Ltmp0, $4  }
0x7: {  	s0 =	rddreg [dreg:$0x2];
	_ =	strace $0x80000047;
	s7 =	sshrl.u32 s6, $0x7  }
0x8: {  	s4 =	sadd.s32 $0x2E00, s2;
	s6 =	sshrl.u32 s6, $0x8;
	s7 =	sand.u32 $0x1, s7  }
0x9: {  	s2 =	stileid.u32;
	[sflag:s5] =	ssyncpa.u1 $0x0;
	s6 =	sadd.s32 s6, s7  }
0xa: {  	[sflag:s8] =	ssyncpa.u1 $0x0;
	s8 =	smov.u32 s3;
	s7 =	sadd.s32 $0x1, s6  }
.LBB1_4:
0xb: {  	v5 =	vld [tilespmem:s18+$0xFFFFFFD0];
	[tilespmem:s17+$0x2040 ss:$0x81] =	vst.msk $0xffff, v1  }
0xc: {  	v58 =	vld [tilespmem:s18+$0xFFFFFFE0];
	[tilespmem:s17+$0x2850 ss:$0x81] =	vst.msk $0xffff, v2  }
0xd: {  	s19 =	sshra.s32 s19, $0x2;
	v59 =	vld [tilespmem:s18+$0xFFFFFFF0];
	[tilespmem:s17+$0x3060 ss:$0x81] =	vst.msk $0xffff, v3  }
0xe: {  	v60 =	vld [tilespmem:s18+$0x0];
	[tilespmem:s17+$0x0 ss:$0x81] =	vst.msk $0xffff, v0;
	s16 =	sadd.s32 s19, s16  }
0xf: {  	v61 =	vld [tilespmem:s18+$0x10];
	[tilespmem:s16+$0x3870 ss:$0x81] =	vst.msk $0xffff, v4  }
0x10: {  	v62 =	vld [tilespmem:s18+$0x20];
	s14 =	sshll.u32 s14, $0x7;
	s28 =	sshll.u32 s12, $0x3;
	[tilespmem:s16+$0x810 ss:$0x81] =	vst.msk $0xffff, v5  }
0x11: {  	v63 =	vld [tilespmem:s18+$0xFFFFFFC0];
	s29 =	sand.u32 $0x7FC00, s14;
	s17 =	sand.u32 $0x7FC00, s28;
	[tilespmem:s16+$0x1020 ss:$0x81] =	vst.msk $0xffff, v58  }
0x12: {  	s14 =	sand.u32 $0x380, s14;
	s17 =	sadd.s32 s17, s29;
	[tilespmem:s16+$0x1830 ss:$0x81] =	vst.msk $0xffff, v59  }
0x13: {  	s13 =	sshll.u32 s13, $0x10;
	s30 =	sshrl.u32 s12, $0x3;
	s14 =	sor.u32 s14, s17;
	[tilespmem:s16+$0x2040 ss:$0x81] =	vst.msk $0xffff, v60  }
0x14: {  	s13 =	sadd.s32 s4, s13;
	s17 =	sand.u32 $0xF, s30;
	s14 =	sshrl.u32 s14, $0x3;
	[tilespmem:s16+$0x2850 ss:$0x81] =	vst.msk $0xffff, v61  }
0x15: {  	s13 =	sadd.s32 s17, s13;
	[tilespmem:s16+$0x3060 ss:$0x81] =	vst.msk $0xffff, v62;
	s14 =	sand.u32 $0xFFF0, s14  }
0x16: {  	s31 =	sand.u32 $0x7, s12;
	[tilespmem:s16+$0x0 ss:$0x81] =	vst.msk $0xffff, v63;
	s13 =	sadd.s32 s14, s13  }
0x17: {  	[hbm4b:s13+s31] =	stream.linear.scatter [tilespmem:s15], [sflag:$0x2], $0x4000, $0x20;
	[tilespmem:$0x10100] =	vst v63  }
.LBB1_5:
0x18: {  	s15 =	sadd.s32 $0x100, s8  }
0x19: {  	s12 =	sadd.s32 $0x80, s9;
	s16 =	smov.u32 s9;
	p2 =	sgt.s32 s15, $0xFFF  }
0x1a: {  	s16 =	smov.u32 @p2 s12  }
0x1b: {  	s18 =	smov.u32 s10;
	s12 =	sadd.s32 $0x10, s10;
	p3 =	sgt.s32 s16, $0x7F  }
0x1c: {  	s18 =	smov.u32 @p3 s12  }
0x1d: {  	s15 =	smov.u32 @p2 s3;
	p2 =	sgt.s32 s18, $0xF  }
0x1e: {  	p1 =	slt.u32 s11, $0x2;
	s18 =	smov.u32 @p2 s2;
	p2 =	sne.s32 s11, s7  }
.Ltmp1:
0x1f: {  	s17 =	simm.s32 @!p1 $0x2;
	(pc) =	sbr.rel @!p2 .LBB1_6-.Ltmp1, $4  }
0x20: {  	s14 =	smov.u32 s8;
	s13 =	smov.u32 s10;
	_ =	swait.ge @!p1 [sflag:s17], $0x4000  }
0x21: {  	p0 =	por !p0, !p0;
	[sflag:s17] =	ssyncset.done @!p1 $0x0;
	s8 =	smov.u32 s15  }
0x22: {  	s16 =	simm.s32 @p3 $0x0;
	s12 =	smov.u32 s9;
	[sflag:s17] =	ssyncadd.s32 @!p1 $0xFFFFC000  }
0x23: {  	s9 =	smov.u32 s16;
	s11 =	sadd.s32 $0x1, s11;
	s10 =	smov.u32 s18  }
.LBB1_1:
0x24: {  	p1 =	sge.u32 s11, s6;
	s31 =	sadd.s32 $0xFFFFFFFF, s11  }
0x25: {  	s15 =	sxor.u32 @!p1 $0xFFFFFFFF, s11;
	s16 =	sand.u32 @!p1 $0x78, s8;
	s17 =	sshll.u32 @!p1 s9, $0xC  }
0x26: {  	s18 =	sshll.u32 @!p1 s9, $0x7;
	s19 =	sshll.u32 @!p1 s8, $0x3;
	s15 =	sshll.u32 @!p1 s15, $0xE  }
0x27: {  	s17 =	sand.u32 @!p1 $0x78000, s17;
	s18 =	sand.u32 @!p1 $0x380, s18;
	s15 =	sand.u32 @!p1 $0x4000, s15  }
0x28: {  	s17 =	sadd.s32 @!p1 s17, s19;
	s19 =	sand.u32 @!p1 $0xC00, s19;
	s16 =	sor.u32 @!p1 s18, s16  }
0x29: {  	s18 =	sshll.u32 @!p1 s10, $0x10;
	s16 =	sor.u32 @!p1 s19, s16;
	s17 =	sshrl.u32 @!p1 s17, $0x3  }
0x2a: {  	s18 =	sadd.s32 @!p1 s1, s18;
	s19 =	sand.u32 @!p1 $0x7, s8;
	s17 =	sand.u32 @!p1 $0xFE00, s17  }
0x2b: {  	s16 =	sshrl.u32 @!p1 s16, $0x3;
	s17 =	sadd.s32 @!p1 s17, s18;
	s18 =	sshll.u32 @!p1 s19, $0x12  }
0x2c: {  	s16 =	sadd.s32 @!p1 s16, s17;
	s17 =	sor.u32 @!p1 $0x400, s18;
	s18 =	simm.s32 @!p1 $0x8000  }
0x2d: {  	[tilespmem:s15], [sflag:$0x1] =	stream.strided.gather @!p1 [hbm4b:s16+s17], $0x4000, s18, s17, $0x38;
	[tilespmem:$0x10100] =	vst v63  }
0x2e: {  	p1 =	sge.u32 s31, s6  }
.Ltmp2:
0x2f: {  	_ = 	snop;
	(pc) =	sbr.rel @p1 .LBB1_5-.Ltmp2, $1  }
0x30: {  	_ =	sdelay $0x3  }
0x31: {  	s15 =	simm.s32 $0x1  }
0x32: {  	_ =	swait.ge [sflag:s5], $0x4000;
	s15 =	simm.s32 @!p0 $0x0  }
0x33: {  	[sflag:s5] =	ssyncset.done $0x0;
	s16 =	sshll.u32 s15, $0xE  }
0x34: {  	[sflag:s5] =	ssyncadd.s32 $0xFFFFC000;
	s18 =	sor.u32 $0x40, s16  }
0x35: {  	s15 =	smul.u32 $0x10200, s15;
	v0 =	vld [tilespmem:s18+$0x30]  }
0x36: {  	v3 =	vld [tilespmem:s18+$0xFFFFFFD0]  }
0x37: {  	s15 =	sshrl.u32 s15, $0x2;
	v4 =	vld [tilespmem:s18+$0xFFFFFFE0]  }
0x38: {  	v5 =	vld [tilespmem:s18+$0xFFFFFFF0];
	s16 =	sor.u32 $0x8000, s15  }
0x39: {  	s31 =	sand.u32 $0x1, s11;
	v1 =	vld [tilespmem:s18+$0x0];
	s17 =	sadd.s32 $0x0, s16  }
0x3a: {  	v2 =	vld [tilespmem:s18+$0x10];
	s15 =	smul.u32 $0x10200, s31;
	[tilespmem:s17+$0x3870 ss:$0x81] =	vst.msk $0xffff, v0  }
0x3b: {  	[tilespmem:s17+$0x810 ss:$0x81] =	vst.msk $0xffff, v3;
	v3 =	vld [tilespmem:s18+$0x20]  }
0x3c: {  	s15 =	sshrl.u32 s15, $0x2;
	v0 =	vld [tilespmem:s18+$0xFFFFFFC0];
	[tilespmem:s17+$0x1020 ss:$0x81] =	vst.msk $0xffff, v4;
	s18 =	sadd.s32 $0x80, s18  }
0x3d: {  	s19 =	simm.s32 $0x4;
	s20 =	simm.s32 $0x8;
	s15 =	sor.u32 $0x8000, s15;
	[tilespmem:s17+$0x1830 ss:$0x81] =	vst.msk $0xffff, v5;
	v4 =	vld [tilespmem:s18+$0x30]  }
.LBB1_3:
0x3e: {  	p1 =	sne.s32 s20, $0x1FC;
	v5 =	vld [tilespmem:s18+$0xFFFFFFD0];
	[tilespmem:s17+$0x2040 ss:$0x81] =	vst.msk $0xffff, v1  }
0x3f: {  	v6 =	vld [tilespmem:s18+$0xFFFFFFE0];
	[tilespmem:s17+$0x2850 ss:$0x81] =	vst.msk $0xffff, v2  }
0x40: {  	s21 =	sshra.s32 s19, $0x2;
	s19 =	smov.u32 s20;
	v7 =	vld [tilespmem:s18+$0xFFFFFFF0];
	[tilespmem:s17+$0x3060 ss:$0x81] =	vst.msk $0xffff, v3  }
.Ltmp3:
0x41: {  	v1 =	vld [tilespmem:s18+$0x0];
	[tilespmem:s17+$0x0 ss:$0x81] =	vst.msk $0xffff, v0;
	s17 =	sadd.s32 s21, s16;
	(pc) =	sbr.rel @p1 .LBB1_3-.Ltmp3, $4  }
0x42: {  	v2 =	vld [tilespmem:s18+$0x10];
	[tilespmem:s17+$0x3870 ss:$0x81] =	vst.msk $0xffff, v4  }
0x43: {  	[tilespmem:s17+$0x810 ss:$0x81] =	vst.msk $0xffff, v5;
	v3 =	vld [tilespmem:s18+$0x20]  }
0x44: {  	v0 =	vld [tilespmem:s18+$0xFFFFFFC0];
	[tilespmem:s17+$0x1020 ss:$0x81] =	vst.msk $0xffff, v6;
	s18 =	sadd.s32 $0x80, s18  }
0x45: {  	s20 =	sadd.s32 $0x4, s20;
	v4 =	vld [tilespmem:s18+$0x30];
	[tilespmem:s17+$0x1830 ss:$0x81] =	vst.msk $0xffff, v7  }
.Ltmp4:
0x46: {  	_ = 	snop;
	(pc) =	sbr.rel .LBB1_4-.Ltmp4, $1  }
0x47: {  	_ =	sdelay $0x3  }
.LBB1_6:
0x48: {  	_ =	sfence.sel $0x180000  }
0x49: {  	s1 =	simm.s32 $0x1;
	[bflag:$0x0] =	sbarrier.arrive $0xFFFF  }
0x4a: {  	s31 =	simm.s32 $0x2;
	[sflag:s1] =	ssyncpa.u1 $0x1  }
0x4b: {  	[sflag:s31] =	ssyncpa.u1 $0x1  }
0x4c: {  	p0 =	sne.s32 s2, $0x0;
	_ =	strace $0x90000047  }
0x4d: {  	s0 =	sadd.s32 @!p0 $0x100000, s0;
	[bflag:$0x2] =	sbarrier.arrive $0xFFFF  }
0x4e: {  	[sflag:s0] =	ssyncadd.tile.s32 @!p0 $0x1;
	_ =	shalt  }
.Lfunc_end1:
_tile_overlayer_lowered:
.L_overlay_start_2:
0x4f: {  	(tag) =	ssettag $0x2  }
0x50: {  	s0 =	rddreg [dreg:$0x0];
	s2 =	stileid.u32  }
0x51: {  	s1 =	rddreg [dreg:$0x1];
	p0 =	sne.s32 s2, $0x0  }
0x52: {  	s3 =	rddreg [dreg:$0x2];
	[bflag:$0x3] =	sbarrier.arrive $0xFFFF;
	s2 =	simm.s32 @!p0 $0x1C01  }
0x53: {  	[timem:s3], [sflag:s2] =	dma.local @!p0 [hbm:s0], s1  }
0x54: {  	s0 =	simm.s32 @!p0 $0x1  }
0x55: {  	_ =	swait.ge @!p0 [sflag:s0], s1  }
0x56: {  	s1 =	ssub.s32 @!p0 $0x0, s1;
	[sflag:s0] =	ssyncset.done @!p0 $0x0  }
0x57: {  	[sflag:s0] =	ssyncadd.s32 @!p0 s1  }
0x58: {  	[bflag:$0x3] =	sbarrier.arrive $0xFFFF  }
0x59: {  	_ =	shalt  }

</sc_bundles>
